<compile_context>
chip_gen: v7x
topology: tpu7x:2x2x1
jax: 0.10.2.dev20260603
libtpu: 0.0.44.dev20260713+nightly
codegen_flags: <defaults>
</compile_context>

<pallas_src>
import functools

import jax
import jax.numpy as jnp
from jax import lax
from jax.experimental import pallas as pl
from jax.experimental.pallas import tpu as pltpu
from jax.experimental.pallas import tpu_sc as plsc

_EMBED_DIM = 5
_N_CAT = 47
_BATCH = 16384

_NC = 2
_NS = 16
_NW = _NC * _NS
_B_PER_W = _BATCH // _NW
_D_PAD = 48
_L = 16
_NBLK = _B_PER_W // _L

_EMB_OFF = 0
_W_OFF = 240
_B_OFF = 480
_PACK_LEN = _B_OFF + _N_CAT

_sc_mesh = plsc.VectorSubcoreMesh(core_axis_name="c", subcore_axis_name="s")


@functools.partial(
    pl.kernel,
    out_type=jax.ShapeDtypeStruct((_N_CAT, 1, _BATCH), jnp.float32),
    mesh=_sc_mesh,
    scratch_types=[
        pltpu.VMEM((_B_PER_W,), jnp.int32),
        pltpu.VMEM((_PACK_LEN + _L,), jnp.float32),
        pltpu.VMEM((_N_CAT * _D_PAD,), jnp.float32),
        pltpu.VMEM((_N_CAT, 1, _B_PER_W), jnp.float32),
        pltpu.SemaphoreType.DMA,
        pltpu.SemaphoreType.DMA,
    ],
    compiler_params=pltpu.CompilerParams(
        use_tc_tiling_on_sc=False, needs_layout_passes=False
    ),
)
def _sc_fused_lookup(
    idx_hbm, pack_hbm, out_hbm, idx_v, wb_v, table_v, out_v, sem_in, sem_out
):
    wid = lax.axis_index("s") * _NC + lax.axis_index("c")

    idx_cp = pltpu.async_copy(
        idx_hbm.at[pl.ds(wid * _B_PER_W, _B_PER_W)], idx_v, sem_in
    )
    pltpu.sync_copy(pack_hbm, wb_v.at[pl.ds(0, _PACK_LEN)])

    w_vregs = [
        [wb_v[pl.ds(_W_OFF + e * _N_CAT + k * _L, _L)] for k in range(3)]
        for e in range(_EMBED_DIM)
    ]
    b_vregs = [wb_v[pl.ds(_B_OFF + k * _L, _L)] for k in range(3)]

    def table_row(r, _):
        accs = list(b_vregs)
        erow = wb_v[pl.ds(_EMB_OFF + r * _EMBED_DIM, _L)]
        for e in range(_EMBED_DIM):
            s = erow[e]
            for k in range(3):
                accs[k] = accs[k] + s * w_vregs[e][k]
        for k in range(3):
            table_v[pl.ds(r * _D_PAD + k * _L, _L)] = accs[k]
        return _

    with jax.named_scope("tbl"):
        lax.fori_loop(0, _N_CAT, table_row, 0)
    with jax.named_scope("idxwait"):
        idx_cp.wait()

    srcs0 = tuple(
        idx_v[pl.ds(i * _L, _L)] * _D_PAD for i in range(_NBLK)
    )
    out_base = wid * _B_PER_W

    def column(j, srcs):
        for i0 in range(0, _NBLK, 4):
            vals = [
                plsc.load_gather(table_v, [srcs[i0 + k]]) for k in range(4)
            ]
            for k in range(4):
                out_v[j, 0, pl.ds((i0 + k) * _L, _L)] = vals[k]
        return tuple(s + 1 for s in srcs)

    with jax.named_scope("gather"):
        lax.fori_loop(0, _N_CAT, column, srcs0)

    with jax.named_scope("drain"):
        pltpu.sync_copy(
            out_v, out_hbm.at[:, :, pl.ds(out_base, _B_PER_W)]
        )


def kernel(inputs, emb_table, dense_kernel, dense_bias):
    pack = jnp.concatenate(
        [
            jnp.pad(emb_table.reshape(_N_CAT * _EMBED_DIM), (0, 5)),
            jnp.pad(dense_kernel.reshape(_EMBED_DIM * _N_CAT), (0, 5)),
            dense_bias,
        ]
    )
    out = _sc_fused_lookup(inputs.reshape(_BATCH), pack)
    return jnp.transpose(out, (2, 1, 0))

# --- scband reference (transcript-rebuilt; emitter-appended) ---
"""Pipeline reference for scband-my-model-87522843560815 (READ-ONLY COPY).

The authoritative reference and input builder live on the scoring server;
editing this copy changes nothing except your own understanding.
"""

import jax, jax.numpy as jnp
import numpy as np

EMBED_DIM = 5
N_CAT = 47
BATCH = 16384

def setup_inputs(seed: int = 0) -> dict:
    key = jax.random.key(seed)
    k_idx, k_emb, k_w, k_b = jax.random.split(key, 4)
    inputs = jax.random.randint(k_idx, (BATCH, 1), 0, N_CAT, dtype=jnp.int32)
    # Embedding table (Keras Embedding default: uniform init)
    emb_table = jax.random.uniform(k_emb, (N_CAT, EMBED_DIM), dtype=jnp.float32, minval=-0.05, maxval=0.05)
    # Dense layer: kernel [EMBED_DIM, N_CAT], bias [N_CAT] (Keras glorot_uniform kernel, zeros bias)
    limit = np.sqrt(6.0 / (EMBED_DIM + N_CAT))
    dense_kernel = jax.random.uniform(k_w, (EMBED_DIM, N_CAT), dtype=jnp.float32, minval=-limit, maxval=limit)
    dense_bias = jnp.zeros((N_CAT,), dtype=jnp.float32)
    return {"inputs": inputs, "emb_table": emb_table, "dense_kernel": dense_kernel, "dense_bias": dense_bias}

def reference(inputs, emb_table, dense_kernel, dense_bias):
    # Embedding lookup: (B, 1) -> (B, 1, EMBED_DIM)
    x = jnp.take(emb_table, inputs, axis=0)
    # Dense: (B, 1, EMBED_DIM) @ (EMBED_DIM, N_CAT) + bias -> (B, 1, N_CAT)
    logits = jnp.einsum('ble,ec->blc', x, dense_kernel) + dense_bias
    return logits

if __name__ == "__main__":
    import jax
    _d = setup_inputs()
    print(jax.jit(kernel)(*tuple(_d.values())))

</pallas_src>

<mosaic_0001>
#map = affine_map<(d0, d1) -> (0)>
#map1 = affine_map<(d0, d1) -> (0, 0, 0)>
module attributes {stable_mosaic.version = 14 : i64} {
  func.func @_sc_fused_lookup(%arg0: i32, %arg1: i32, %arg2: memref<16384xi32, #tpu.memory_space<hbm>>, %arg3: memref<527xf32, #tpu.memory_space<hbm>>, %arg4: memref<47x1x16384xf32, #tpu.memory_space<hbm>>, %arg5: memref<512xi32, #tpu.memory_space<vmem>>, %arg6: memref<543xf32, #tpu.memory_space<vmem>>, %arg7: memref<2256xf32, #tpu.memory_space<vmem>>, %arg8: memref<47x1x512xf32, #tpu.memory_space<vmem>>, %arg9: memref<!tpu.dma_semaphore, #tpu.memory_space<semaphore_mem>>, %arg10: memref<!tpu.dma_semaphore, #tpu.memory_space<semaphore_mem>>) attributes {dimension_semantics = [#tpu.dimension_semantics<core_parallel>, #tpu.dimension_semantics<subcore_parallel>], iteration_bounds = array<i64: 2, 16>, scalar_prefetch = 0 : i64, scratch_operands = 6 : i64, tpu.core_type = #tpu.core_type<sc_vector_subcore>, window_params = [{transform_indices = #map}, {transform_indices = #map}, {transform_indices = #map1}]} {
    %mul3A = arith.constant 2 : i32
    %mul3A_0 = arith.muli %arg1, %mul3A : i32
    %add3A = arith.addi %mul3A_0, %arg0 : i32
    %mul3A_1 = arith.constant 512 : i32
    %mul3A_2 = arith.muli %add3A, %mul3A_1 : i32
    %dma_start3A = tpu.memref_slice %arg2[%mul3A_2] : memref<16384xi32, #tpu.memory_space<hbm>> -> memref<512xi32, #tpu.memory_space<hbm>>
    %dma_start3A_3 = tpu.memref_slice %arg2[%mul3A_2] : memref<16384xi32, #tpu.memory_space<hbm>> -> memref<512xi32, #tpu.memory_space<hbm>>
    tpu.enqueue_dma source(%dma_start3A_3 : memref<512xi32, #tpu.memory_space<hbm>>) target(%arg5 : memref<512xi32, #tpu.memory_space<vmem>>) target_semaphore(%arg9 : memref<!tpu.dma_semaphore, #tpu.memory_space<semaphore_mem>>)
    "tpu.region"() ({
      %run_scoped3A = tpu.sem_alloc : memref<!tpu.dma_semaphore, #tpu.memory_space<semaphore_mem>>
      %dma_start3A_213 = arith.constant 0 : i32
      %dma_start3A_214 = tpu.memref_slice %arg6[%dma_start3A_213] : memref<543xf32, #tpu.memory_space<vmem>> -> memref<527xf32, #tpu.memory_space<vmem>>
      %dma_start3A_215 = arith.constant 0 : i32
      %dma_start3A_216 = tpu.memref_slice %arg6[%dma_start3A_215] : memref<543xf32, #tpu.memory_space<vmem>> -> memref<527xf32, #tpu.memory_space<vmem>>
      tpu.enqueue_dma source(%arg3 : memref<527xf32, #tpu.memory_space<hbm>>) target(%dma_start3A_216 : memref<527xf32, #tpu.memory_space<vmem>>) target_semaphore(%run_scoped3A : memref<!tpu.dma_semaphore, #tpu.memory_space<semaphore_mem>>)
      %dma_wait3A_217 = arith.constant 0 : i32
      %dma_wait3A_218 = tpu.memref_slice %arg6[%dma_wait3A_217] : memref<543xf32, #tpu.memory_space<vmem>> -> memref<527xf32, #tpu.memory_space<vmem>>
      %dma_wait3A_219 = arith.constant 0 : i32
      %dma_wait3A_220 = tpu.memref_slice %arg6[%dma_wait3A_219] : memref<543xf32, #tpu.memory_space<vmem>> -> memref<527xf32, #tpu.memory_space<vmem>>
      tpu.wait_dma2 semaphore(%run_scoped3A : memref<!tpu.dma_semaphore, #tpu.memory_space<semaphore_mem>>) src(%arg3 : memref<527xf32, #tpu.memory_space<hbm>>) dst(%dma_wait3A_220 : memref<527xf32, #tpu.memory_space<vmem>>)
      tpu.yield
    }) : () -> ()
    %get3A = arith.constant 240 : index
    %get3A_4 = tpu.vector_load %arg6[%get3A] {strides = array<i32>} : memref<543xf32, #tpu.memory_space<vmem>>, vector<16xf32>,
    %get3A_5 = arith.constant 256 : index
    %get3A_6 = tpu.vector_load %arg6[%get3A_5] {strides = array<i32>} : memref<543xf32, #tpu.memory_space<vmem>>, vector<16xf32>,
    %get3A_7 = arith.constant 272 : index
    %get3A_8 = tpu.vector_load %arg6[%get3A_7] {strides = array<i32>} : memref<543xf32, #tpu.memory_space<vmem>>, vector<16xf32>,
    %get3A_9 = arith.constant 287 : index
    %get3A_10 = tpu.vector_load %arg6[%get3A_9] {strides = array<i32>} : memref<543xf32, #tpu.memory_space<vmem>>, vector<16xf32>,
    %get3A_11 = arith.constant 303 : index
    %get3A_12 = tpu.vector_load %arg6[%get3A_11] {strides = array<i32>} : memref<543xf32, #tpu.memory_space<vmem>>, vector<16xf32>,
    %get3A_13 = arith.constant 319 : index
    %get3A_14 = tpu.vector_load %arg6[%get3A_13] {strides = array<i32>} : memref<543xf32, #tpu.memory_space<vmem>>, vector<16xf32>,
    %get3A_15 = arith.constant 334 : index
    %get3A_16 = tpu.vector_load %arg6[%get3A_15] {strides = array<i32>} : memref<543xf32, #tpu.memory_space<vmem>>, vector<16xf32>,
    %get3A_17 = arith.constant 350 : index
    %get3A_18 = tpu.vector_load %arg6[%get3A_17] {strides = array<i32>} : memref<543xf32, #tpu.memory_space<vmem>>, vector<16xf32>,
    %get3A_19 = arith.constant 366 : index
    %get3A_20 = tpu.vector_load %arg6[%get3A_19] {strides = array<i32>} : memref<543xf32, #tpu.memory_space<vmem>>, vector<16xf32>,
    %get3A_21 = arith.constant 381 : index
    %get3A_22 = tpu.vector_load %arg6[%get3A_21] {strides = array<i32>} : memref<543xf32, #tpu.memory_space<vmem>>, vector<16xf32>,
    %get3A_23 = arith.constant 397 : index
    %get3A_24 = tpu.vector_load %arg6[%get3A_23] {strides = array<i32>} : memref<543xf32, #tpu.memory_space<vmem>>, vector<16xf32>,
    %get3A_25 = arith.constant 413 : index
    %get3A_26 = tpu.vector_load %arg6[%get3A_25] {strides = array<i32>} : memref<543xf32, #tpu.memory_space<vmem>>, vector<16xf32>,
    %get3A_27 = arith.constant 428 : index
    %get3A_28 = tpu.vector_load %arg6[%get3A_27] {strides = array<i32>} : memref<543xf32, #tpu.memory_space<vmem>>, vector<16xf32>,
    %get3A_29 = arith.constant 444 : index
    %get3A_30 = tpu.vector_load %arg6[%get3A_29] {strides = array<i32>} : memref<543xf32, #tpu.memory_space<vmem>>, vector<16xf32>,
    %get3A_31 = arith.constant 460 : index
    %get3A_32 = tpu.vector_load %arg6[%get3A_31] {strides = array<i32>} : memref<543xf32, #tpu.memory_space<vmem>>, vector<16xf32>,
    %get3A_33 = arith.constant 480 : index
    %get3A_34 = tpu.vector_load %arg6[%get3A_33] {strides = array<i32>} : memref<543xf32, #tpu.memory_space<vmem>>, vector<16xf32>,
    %get3A_35 = arith.constant 496 : index
    %get3A_36 = tpu.vector_load %arg6[%get3A_35] {strides = array<i32>} : memref<543xf32, #tpu.memory_space<vmem>>, vector<16xf32>,
    %get3A_37 = arith.constant 512 : index
    %get3A_38 = tpu.vector_load %arg6[%get3A_37] {strides = array<i32>} : memref<543xf32, #tpu.memory_space<vmem>>, vector<16xf32>,
    "tpu.trace_start"() <{level = 10 : i32, message = "tbl"}> : () -> ()
    %scan3A = arith.constant 0 : i32
    %scan3A_39 = arith.constant 0 : i32
    %scan3A_40 = arith.constant 47 : i32
    %scan3A_41 = arith.addi %scan3A_39, %scan3A_40 : i32
    %scan3A_42 = arith.constant 1 : i32
    scf.for %scan3A_213 = %scan3A_39 to %scan3A_41 step %scan3A_42  : i32 {
      %mul3A_214 = arith.constant 5 : i32
      %mul3A_215 = arith.muli %scan3A_213, %mul3A_214 : i32
      %add3A_216 = arith.constant 0 : i32
      %add3A_217 = arith.addi %add3A_216, %mul3A_215 : i32
      %get3A_218 = arith.index_cast %add3A_217 : i32 to index
      %get3A_219 = tpu.vector_load %arg6[%get3A_218] {strides = array<i32>} : memref<543xf32, #tpu.memory_space<vmem>>, vector<16xf32>,
      %slice3A = vector.extract_strided_slice %get3A_219 {offsets = [0], sizes = [1], strides = [1]} : vector<16xf32> to vector<1xf32>
      %squeeze3A = vector.extract %slice3A[0] : f32 from vector<1xf32>
      %mul3A_220 = vector.broadcast %squeeze3A : f32 to vector<16xf32>
      %mul3A_221 = arith.mulf %mul3A_220, %get3A_4 : vector<16xf32>
      %add3A_222 = arith.addf %get3A_34, %mul3A_221 : vector<16xf32>
      %mul3A_223 = vector.broadcast %squeeze3A : f32 to vector<16xf32>
      %mul3A_224 = arith.mulf %mul3A_223, %get3A_6 : vector<16xf32>
      %add3A_225 = arith.addf %get3A_36, %mul3A_224 : vector<16xf32>
      %mul3A_226 = vector.broadcast %squeeze3A : f32 to vector<16xf32>
      %mul3A_227 = arith.mulf %mul3A_226, %get3A_8 : vector<16xf32>
      %add3A_228 = arith.addf %get3A_38, %mul3A_227 : vector<16xf32>
      %slice3A_229 = vector.extract_strided_slice %get3A_219 {offsets = [1], sizes = [1], strides = [1]} : vector<16xf32> to vector<1xf32>
      %squeeze3A_230 = vector.extract %slice3A_229[0] : f32 from vector<1xf32>
      %mul3A_231 = vector.broadcast %squeeze3A_230 : f32 to vector<16xf32>
      %mul3A_232 = arith.mulf %mul3A_231, %get3A_10 : vector<16xf32>
      %add3A_233 = arith.addf %add3A_222, %mul3A_232 : vector<16xf32>
      %mul3A_234 = vector.broadcast %squeeze3A_230 : f32 to vector<16xf32>
      %mul3A_235 = arith.mulf %mul3A_234, %get3A_12 : vector<16xf32>
      %add3A_236 = arith.addf %add3A_225, %mul3A_235 : vector<16xf32>
      %mul3A_237 = vector.broadcast %squeeze3A_230 : f32 to vector<16xf32>
      %mul3A_238 = arith.mulf %mul3A_237, %get3A_14 : vector<16xf32>
      %add3A_239 = arith.addf %add3A_228, %mul3A_238 : vector<16xf32>
      %slice3A_240 = vector.extract_strided_slice %get3A_219 {offsets = [2], sizes = [1], strides = [1]} : vector<16xf32> to vector<1xf32>
      %squeeze3A_241 = vector.extract %slice3A_240[0] : f32 from vector<1xf32>
      %mul3A_242 = vector.broadcast %squeeze3A_241 : f32 to vector<16xf32>
      %mul3A_243 = arith.mulf %mul3A_242, %get3A_16 : vector<16xf32>
      %add3A_244 = arith.addf %add3A_233, %mul3A_243 : vector<16xf32>
      %mul3A_245 = vector.broadcast %squeeze3A_241 : f32 to vector<16xf32>
      %mul3A_246 = arith.mulf %mul3A_245, %get3A_18 : vector<16xf32>
      %add3A_247 = arith.addf %add3A_236, %mul3A_246 : vector<16xf32>
      %mul3A_248 = vector.broadcast %squeeze3A_241 : f32 to vector<16xf32>
      %mul3A_249 = arith.mulf %mul3A_248, %get3A_20 : vector<16xf32>
      %add3A_250 = arith.addf %add3A_239, %mul3A_249 : vector<16xf32>
      %slice3A_251 = vector.extract_strided_slice %get3A_219 {offsets = [3], sizes = [1], strides = [1]} : vector<16xf32> to vector<1xf32>
      %squeeze3A_252 = vector.extract %slice3A_251[0] : f32 from vector<1xf32>
      %mul3A_253 = vector.broadcast %squeeze3A_252 : f32 to vector<16xf32>
      %mul3A_254 = arith.mulf %mul3A_253, %get3A_22 : vector<16xf32>
      %add3A_255 = arith.addf %add3A_244, %mul3A_254 : vector<16xf32>
      %mul3A_256 = vector.broadcast %squeeze3A_252 : f32 to vector<16xf32>
      %mul3A_257 = arith.mulf %mul3A_256, %get3A_24 : vector<16xf32>
      %add3A_258 = arith.addf %add3A_247, %mul3A_257 : vector<16xf32>
      %mul3A_259 = vector.broadcast %squeeze3A_252 : f32 to vector<16xf32>
      %mul3A_260 = arith.mulf %mul3A_259, %get3A_26 : vector<16xf32>
      %add3A_261 = arith.addf %add3A_250, %mul3A_260 : vector<16xf32>
      %slice3A_262 = vector.extract_strided_slice %get3A_219 {offsets = [4], sizes = [1], strides = [1]} : vector<16xf32> to vector<1xf32>
      %squeeze3A_263 = vector.extract %slice3A_262[0] : f32 from vector<1xf32>
      %mul3A_264 = vector.broadcast %squeeze3A_263 : f32 to vector<16xf32>
      %mul3A_265 = arith.mulf %mul3A_264, %get3A_28 : vector<16xf32>
      %add3A_266 = arith.addf %add3A_255, %mul3A_265 : vector<16xf32>
      %mul3A_267 = vector.broadcast %squeeze3A_263 : f32 to vector<16xf32>
      %mul3A_268 = arith.mulf %mul3A_267, %get3A_30 : vector<16xf32>
      %add3A_269 = arith.addf %add3A_258, %mul3A_268 : vector<16xf32>
      %mul3A_270 = vector.broadcast %squeeze3A_263 : f32 to vector<16xf32>
      %mul3A_271 = arith.mulf %mul3A_270, %get3A_32 : vector<16xf32>
      %add3A_272 = arith.addf %add3A_261, %mul3A_271 : vector<16xf32>
      %mul3A_273 = arith.constant 48 : i32
      %mul3A_274 = arith.muli %scan3A_213, %mul3A_273 : i32
      %add3A_275 = arith.constant 0 : i32
      %add3A_276 = arith.addi %mul3A_274, %add3A_275 : i32
      %swap3A = arith.index_cast %add3A_276 : i32 to index
      %swap3A_277 = tpu.vector_load %arg7[%swap3A] {strides = array<i32>} : memref<2256xf32, #tpu.memory_space<vmem>>, vector<16xf32>,
      tpu.vector_store %arg7[%swap3A], %add3A_266 {strides = array<i32>} : memref<2256xf32, #tpu.memory_space<vmem>>, vector<16xf32>,
      %mul3A_278 = arith.constant 48 : i32
      %mul3A_279 = arith.muli %scan3A_213, %mul3A_278 : i32
      %add3A_280 = arith.constant 16 : i32
      %add3A_281 = arith.addi %mul3A_279, %add3A_280 : i32
      %swap3A_282 = arith.index_cast %add3A_281 : i32 to index
      %swap3A_283 = tpu.vector_load %arg7[%swap3A_282] {strides = array<i32>} : memref<2256xf32, #tpu.memory_space<vmem>>, vector<16xf32>,
      tpu.vector_store %arg7[%swap3A_282], %add3A_269 {strides = array<i32>} : memref<2256xf32, #tpu.memory_space<vmem>>, vector<16xf32>,
      %mul3A_284 = arith.constant 48 : i32
      %mul3A_285 = arith.muli %scan3A_213, %mul3A_284 : i32
      %add3A_286 = arith.constant 32 : i32
      %add3A_287 = arith.addi %mul3A_285, %add3A_286 : i32
      %swap3A_288 = arith.index_cast %add3A_287 : i32 to index
      %swap3A_289 = tpu.vector_load %arg7[%swap3A_288] {strides = array<i32>} : memref<2256xf32, #tpu.memory_space<vmem>>, vector<16xf32>,
      tpu.vector_store %arg7[%swap3A_288], %add3A_272 {strides = array<i32>} : memref<2256xf32, #tpu.memory_space<vmem>>, vector<16xf32>,
    }
    %scan3A_43 = arith.constant 47 : i32
    "tpu.trace_stop"() : () -> ()
    "tpu.trace_start"() <{level = 10 : i32, message = "idxwait"}> : () -> ()
    %dma_wait3A = tpu.memref_slice %arg2[%mul3A_2] : memref<16384xi32, #tpu.memory_space<hbm>> -> memref<512xi32, #tpu.memory_space<hbm>>
    %dma_wait3A_44 = tpu.memref_slice %arg2[%mul3A_2] : memref<16384xi32, #tpu.memory_space<hbm>> -> memref<512xi32, #tpu.memory_space<hbm>>
    tpu.wait_dma2 semaphore(%arg9 : memref<!tpu.dma_semaphore, #tpu.memory_space<semaphore_mem>>) src(%dma_wait3A_44 : memref<512xi32, #tpu.memory_space<hbm>>) dst(%arg5 : memref<512xi32, #tpu.memory_space<vmem>>)
    "tpu.trace_stop"() : () -> ()
    %get3A_45 = arith.constant 0 : index
    %get3A_46 = tpu.vector_load %arg5[%get3A_45] {strides = array<i32>} : memref<512xi32, #tpu.memory_space<vmem>>, vector<16xi32>,
    %mul3A_47 = arith.constant 48 : i32
    %mul3A_48 = vector.broadcast %mul3A_47 : i32 to vector<16xi32>
    %mul3A_49 = arith.muli %get3A_46, %mul3A_48 : vector<16xi32>
    %get3A_50 = arith.constant 16 : index
    %get3A_51 = tpu.vector_load %arg5[%get3A_50] {strides = array<i32>} : memref<512xi32, #tpu.memory_space<vmem>>, vector<16xi32>,
    %mul3A_52 = arith.constant 48 : i32
    %mul3A_53 = vector.broadcast %mul3A_52 : i32 to vector<16xi32>
    %mul3A_54 = arith.muli %get3A_51, %mul3A_53 : vector<16xi32>
    %get3A_55 = arith.constant 32 : index
    %get3A_56 = tpu.vector_load %arg5[%get3A_55] {strides = array<i32>} : memref<512xi32, #tpu.memory_space<vmem>>, vector<16xi32>,
    %mul3A_57 = arith.constant 48 : i32
    %mul3A_58 = vector.broadcast %mul3A_57 : i32 to vector<16xi32>
    %mul3A_59 = arith.muli %get3A_56, %mul3A_58 : vector<16xi32>
    %get3A_60 = arith.constant 48 : index
    %get3A_61 = tpu.vector_load %arg5[%get3A_60] {strides = array<i32>} : memref<512xi32, #tpu.memory_space<vmem>>, vector<16xi32>,
    %mul3A_62 = arith.constant 48 : i32
    %mul3A_63 = vector.broadcast %mul3A_62 : i32 to vector<16xi32>
    %mul3A_64 = arith.muli %get3A_61, %mul3A_63 : vector<16xi32>
    %get3A_65 = arith.constant 64 : index
    %get3A_66 = tpu.vector_load %arg5[%get3A_65] {strides = array<i32>} : memref<512xi32, #tpu.memory_space<vmem>>, vector<16xi32>,
    %mul3A_67 = arith.constant 48 : i32
    %mul3A_68 = vector.broadcast %mul3A_67 : i32 to vector<16xi32>
    %mul3A_69 = arith.muli %get3A_66, %mul3A_68 : vector<16xi32>
    %get3A_70 = arith.constant 80 : index
    %get3A_71 = tpu.vector_load %arg5[%get3A_70] {strides = array<i32>} : memref<512xi32, #tpu.memory_space<vmem>>, vector<16xi32>,
    %mul3A_72 = arith.constant 48 : i32
    %mul3A_73 = vector.broadcast %mul3A_72 : i32 to vector<16xi32>
    %mul3A_74 = arith.muli %get3A_71, %mul3A_73 : vector<16xi32>
    %get3A_75 = arith.constant 96 : index
    %get3A_76 = tpu.vector_load %arg5[%get3A_75] {strides = array<i32>} : memref<512xi32, #tpu.memory_space<vmem>>, vector<16xi32>,
    %mul3A_77 = arith.constant 48 : i32
    %mul3A_78 = vector.broadcast %mul3A_77 : i32 to vector<16xi32>
    %mul3A_79 = arith.muli %get3A_76, %mul3A_78 : vector<16xi32>
    %get3A_80 = arith.constant 112 : index
    %get3A_81 = tpu.vector_load %arg5[%get3A_80] {strides = array<i32>} : memref<512xi32, #tpu.memory_space<vmem>>, vector<16xi32>,
    %mul3A_82 = arith.constant 48 : i32
    %mul3A_83 = vector.broadcast %mul3A_82 : i32 to vector<16xi32>
    %mul3A_84 = arith.muli %get3A_81, %mul3A_83 : vector<16xi32>
    %get3A_85 = arith.constant 128 : index
    %get3A_86 = tpu.vector_load %arg5[%get3A_85] {strides = array<i32>} : memref<512xi32, #tpu.memory_space<vmem>>, vector<16xi32>,
    %mul3A_87 = arith.constant 48 : i32
    %mul3A_88 = vector.broadcast %mul3A_87 : i32 to vector<16xi32>
    %mul3A_89 = arith.muli %get3A_86, %mul3A_88 : vector<16xi32>
    %get3A_90 = arith.constant 144 : index
    %get3A_91 = tpu.vector_load %arg5[%get3A_90] {strides = array<i32>} : memref<512xi32, #tpu.memory_space<vmem>>, vector<16xi32>,
    %mul3A_92 = arith.constant 48 : i32
    %mul3A_93 = vector.broadcast %mul3A_92 : i32 to vector<16xi32>
    %mul3A_94 = arith.muli %get3A_91, %mul3A_93 : vector<16xi32>
    %get3A_95 = arith.constant 160 : index
    %get3A_96 = tpu.vector_load %arg5[%get3A_95] {strides = array<i32>} : memref<512xi32, #tpu.memory_space<vmem>>, vector<16xi32>,
    %mul3A_97 = arith.constant 48 : i32
    %mul3A_98 = vector.broadcast %mul3A_97 : i32 to vector<16xi32>
    %mul3A_99 = arith.muli %get3A_96, %mul3A_98 : vector<16xi32>
    %get3A_100 = arith.constant 176 : index
    %get3A_101 = tpu.vector_load %arg5[%get3A_100] {strides = array<i32>} : memref<512xi32, #tpu.memory_space<vmem>>, vector<16xi32>,
    %mul3A_102 = arith.constant 48 : i32
    %mul3A_103 = vector.broadcast %mul3A_102 : i32 to vector<16xi32>
    %mul3A_104 = arith.muli %get3A_101, %mul3A_103 : vector<16xi32>
    %get3A_105 = arith.constant 192 : index
    %get3A_106 = tpu.vector_load %arg5[%get3A_105] {strides = array<i32>} : memref<512xi32, #tpu.memory_space<vmem>>, vector<16xi32>,
    %mul3A_107 = arith.constant 48 : i32
    %mul3A_108 = vector.broadcast %mul3A_107 : i32 to vector<16xi32>
    %mul3A_109 = arith.muli %get3A_106, %mul3A_108 : vector<16xi32>
    %get3A_110 = arith.constant 208 : index
    %get3A_111 = tpu.vector_load %arg5[%get3A_110] {strides = array<i32>} : memref<512xi32, #tpu.memory_space<vmem>>, vector<16xi32>,
    %mul3A_112 = arith.constant 48 : i32
    %mul3A_113 = vector.broadcast %mul3A_112 : i32 to vector<16xi32>
    %mul3A_114 = arith.muli %get3A_111, %mul3A_113 : vector<16xi32>
    %get3A_115 = arith.constant 224 : index
    %get3A_116 = tpu.vector_load %arg5[%get3A_115] {strides = array<i32>} : memref<512xi32, #tpu.memory_space<vmem>>, vector<16xi32>,
    %mul3A_117 = arith.constant 48 : i32
    %mul3A_118 = vector.broadcast %mul3A_117 : i32 to vector<16xi32>
    %mul3A_119 = arith.muli %get3A_116, %mul3A_118 : vector<16xi32>
    %get3A_120 = arith.constant 240 : index
    %get3A_121 = tpu.vector_load %arg5[%get3A_120] {strides = array<i32>} : memref<512xi32, #tpu.memory_space<vmem>>, vector<16xi32>,
    %mul3A_122 = arith.constant 48 : i32
    %mul3A_123 = vector.broadcast %mul3A_122 : i32 to vector<16xi32>
    %mul3A_124 = arith.muli %get3A_121, %mul3A_123 : vector<16xi32>
    %get3A_125 = arith.constant 256 : index
    %get3A_126 = tpu.vector_load %arg5[%get3A_125] {strides = array<i32>} : memref<512xi32, #tpu.memory_space<vmem>>, vector<16xi32>,
    %mul3A_127 = arith.constant 48 : i32
    %mul3A_128 = vector.broadcast %mul3A_127 : i32 to vector<16xi32>
    %mul3A_129 = arith.muli %get3A_126, %mul3A_128 : vector<16xi32>
    %get3A_130 = arith.constant 272 : index
    %get3A_131 = tpu.vector_load %arg5[%get3A_130] {strides = array<i32>} : memref<512xi32, #tpu.memory_space<vmem>>, vector<16xi32>,
    %mul3A_132 = arith.constant 48 : i32
    %mul3A_133 = vector.broadcast %mul3A_132 : i32 to vector<16xi32>
    %mul3A_134 = arith.muli %get3A_131, %mul3A_133 : vector<16xi32>
    %get3A_135 = arith.constant 288 : index
    %get3A_136 = tpu.vector_load %arg5[%get3A_135] {strides = array<i32>} : memref<512xi32, #tpu.memory_space<vmem>>, vector<16xi32>,
    %mul3A_137 = arith.constant 48 : i32
    %mul3A_138 = vector.broadcast %mul3A_137 : i32 to vector<16xi32>
    %mul3A_139 = arith.muli %get3A_136, %mul3A_138 : vector<16xi32>
    %get3A_140 = arith.constant 304 : index
    %get3A_141 = tpu.vector_load %arg5[%get3A_140] {strides = array<i32>} : memref<512xi32, #tpu.memory_space<vmem>>, vector<16xi32>,
    %mul3A_142 = arith.constant 48 : i32
    %mul3A_143 = vector.broadcast %mul3A_142 : i32 to vector<16xi32>
    %mul3A_144 = arith.muli %get3A_141, %mul3A_143 : vector<16xi32>
    %get3A_145 = arith.constant 320 : index
    %get3A_146 = tpu.vector_load %arg5[%get3A_145] {strides = array<i32>} : memref<512xi32, #tpu.memory_space<vmem>>, vector<16xi32>,
    %mul3A_147 = arith.constant 48 : i32
    %mul3A_148 = vector.broadcast %mul3A_147 : i32 to vector<16xi32>
    %mul3A_149 = arith.muli %get3A_146, %mul3A_148 : vector<16xi32>
    %get3A_150 = arith.constant 336 : index
    %get3A_151 = tpu.vector_load %arg5[%get3A_150] {strides = array<i32>} : memref<512xi32, #tpu.memory_space<vmem>>, vector<16xi32>,
    %mul3A_152 = arith.constant 48 : i32
    %mul3A_153 = vector.broadcast %mul3A_152 : i32 to vector<16xi32>
    %mul3A_154 = arith.muli %get3A_151, %mul3A_153 : vector<16xi32>
    %get3A_155 = arith.constant 352 : index
    %get3A_156 = tpu.vector_load %arg5[%get3A_155] {strides = array<i32>} : memref<512xi32, #tpu.memory_space<vmem>>, vector<16xi32>,
    %mul3A_157 = arith.constant 48 : i32
    %mul3A_158 = vector.broadcast %mul3A_157 : i32 to vector<16xi32>
    %mul3A_159 = arith.muli %get3A_156, %mul3A_158 : vector<16xi32>
    %get3A_160 = arith.constant 368 : index
    %get3A_161 = tpu.vector_load %arg5[%get3A_160] {strides = array<i32>} : memref<512xi32, #tpu.memory_space<vmem>>, vector<16xi32>,
    %mul3A_162 = arith.constant 48 : i32
    %mul3A_163 = vector.broadcast %mul3A_162 : i32 to vector<16xi32>
    %mul3A_164 = arith.muli %get3A_161, %mul3A_163 : vector<16xi32>
    %get3A_165 = arith.constant 384 : index
    %get3A_166 = tpu.vector_load %arg5[%get3A_165] {strides = array<i32>} : memref<512xi32, #tpu.memory_space<vmem>>, vector<16xi32>,
    %mul3A_167 = arith.constant 48 : i32
    %mul3A_168 = vector.broadcast %mul3A_167 : i32 to vector<16xi32>
    %mul3A_169 = arith.muli %get3A_166, %mul3A_168 : vector<16xi32>
    %get3A_170 = arith.constant 400 : index
    %get3A_171 = tpu.vector_load %arg5[%get3A_170] {strides = array<i32>} : memref<512xi32, #tpu.memory_space<vmem>>, vector<16xi32>,
    %mul3A_172 = arith.constant 48 : i32
    %mul3A_173 = vector.broadcast %mul3A_172 : i32 to vector<16xi32>
    %mul3A_174 = arith.muli %get3A_171, %mul3A_173 : vector<16xi32>
    %get3A_175 = arith.constant 416 : index
    %get3A_176 = tpu.vector_load %arg5[%get3A_175] {strides = array<i32>} : memref<512xi32, #tpu.memory_space<vmem>>, vector<16xi32>,
    %mul3A_177 = arith.constant 48 : i32
    %mul3A_178 = vector.broadcast %mul3A_177 : i32 to vector<16xi32>
    %mul3A_179 = arith.muli %get3A_176, %mul3A_178 : vector<16xi32>
    %get3A_180 = arith.constant 432 : index
    %get3A_181 = tpu.vector_load %arg5[%get3A_180] {strides = array<i32>} : memref<512xi32, #tpu.memory_space<vmem>>, vector<16xi32>,
    %mul3A_182 = arith.constant 48 : i32
    %mul3A_183 = vector.broadcast %mul3A_182 : i32 to vector<16xi32>
    %mul3A_184 = arith.muli %get3A_181, %mul3A_183 : vector<16xi32>
    %get3A_185 = arith.constant 448 : index
    %get3A_186 = tpu.vector_load %arg5[%get3A_185] {strides = array<i32>} : memref<512xi32, #tpu.memory_space<vmem>>, vector<16xi32>,
    %mul3A_187 = arith.constant 48 : i32
    %mul3A_188 = vector.broadcast %mul3A_187 : i32 to vector<16xi32>
    %mul3A_189 = arith.muli %get3A_186, %mul3A_188 : vector<16xi32>
    %get3A_190 = arith.constant 464 : index
    %get3A_191 = tpu.vector_load %arg5[%get3A_190] {strides = array<i32>} : memref<512xi32, #tpu.memory_space<vmem>>, vector<16xi32>,
    %mul3A_192 = arith.constant 48 : i32
    %mul3A_193 = vector.broadcast %mul3A_192 : i32 to vector<16xi32>
    %mul3A_194 = arith.muli %get3A_191, %mul3A_193 : vector<16xi32>
    %get3A_195 = arith.constant 480 : index
    %get3A_196 = tpu.vector_load %arg5[%get3A_195] {strides = array<i32>} : memref<512xi32, #tpu.memory_space<vmem>>, vector<16xi32>,
    %mul3A_197 = arith.constant 48 : i32
    %mul3A_198 = vector.broadcast %mul3A_197 : i32 to vector<16xi32>
    %mul3A_199 = arith.muli %get3A_196, %mul3A_198 : vector<16xi32>
    %get3A_200 = arith.constant 496 : index
    %get3A_201 = tpu.vector_load %arg5[%get3A_200] {strides = array<i32>} : memref<512xi32, #tpu.memory_space<vmem>>, vector<16xi32>,
    %mul3A_202 = arith.constant 48 : i32
    %mul3A_203 = vector.broadcast %mul3A_202 : i32 to vector<16xi32>
    %mul3A_204 = arith.muli %get3A_201, %mul3A_203 : vector<16xi32>
    %mul3A_205 = arith.constant 512 : i32
    %mul3A_206 = arith.muli %add3A, %mul3A_205 : i32
    "tpu.trace_start"() <{level = 10 : i32, message = "gather"}> : () -> ()
    %scan3A_207 = arith.constant 0 : i32
    %scan3A_208 = arith.constant 47 : i32
    %scan3A_209 = arith.addi %scan3A_207, %scan3A_208 : i32
    %scan3A_210 = arith.constant 1 : i32
    %scan3A_211:32 = scf.for %scan3A_213 = %scan3A_207 to %scan3A_209 step %scan3A_210 iter_args(%scan3A_214 = %mul3A_49, %scan3A_215 = %mul3A_54, %scan3A_216 = %mul3A_59, %scan3A_217 = %mul3A_64, %scan3A_218 = %mul3A_69, %scan3A_219 = %mul3A_74, %scan3A_220 = %mul3A_79, %scan3A_221 = %mul3A_84, %scan3A_222 = %mul3A_89, %scan3A_223 = %mul3A_94, %scan3A_224 = %mul3A_99, %scan3A_225 = %mul3A_104, %scan3A_226 = %mul3A_109, %scan3A_227 = %mul3A_114, %scan3A_228 = %mul3A_119, %scan3A_229 = %mul3A_124, %scan3A_230 = %mul3A_129, %scan3A_231 = %mul3A_134, %scan3A_232 = %mul3A_139, %scan3A_233 = %mul3A_144, %scan3A_234 = %mul3A_149, %scan3A_235 = %mul3A_154, %scan3A_236 = %mul3A_159, %scan3A_237 = %mul3A_164, %scan3A_238 = %mul3A_169, %scan3A_239 = %mul3A_174, %scan3A_240 = %mul3A_179, %scan3A_241 = %mul3A_184, %scan3A_242 = %mul3A_189, %scan3A_243 = %mul3A_194, %scan3A_244 = %mul3A_199, %scan3A_245 = %mul3A_204) -> (vector<16xi32>, vector<16xi32>, vector<16xi32>, vector<16xi32>, vector<16xi32>, vector<16xi32>, vector<16xi32>, vector<16xi32>, vector<16xi32>, vector<16xi32>, vector<16xi32>, vector<16xi32>, vector<16xi32>, vector<16xi32>, vector<16xi32>, vector<16xi32>, vector<16xi32>, vector<16xi32>, vector<16xi32>, vector<16xi32>, vector<16xi32>, vector<16xi32>, vector<16xi32>, vector<16xi32>, vector<16xi32>, vector<16xi32>, vector<16xi32>, vector<16xi32>, vector<16xi32>, vector<16xi32>, vector<16xi32>, vector<16xi32>)  : i32 {
      %gather3A = tpu.vector_load_idx %arg7[%scan3A_214] : memref<2256xf32, #tpu.memory_space<vmem>>[vector<16xi32>], vector<16xf32>,
      %gather3A_246 = tpu.vector_load_idx %arg7[%scan3A_215] : memref<2256xf32, #tpu.memory_space<vmem>>[vector<16xi32>], vector<16xf32>,
      %gather3A_247 = tpu.vector_load_idx %arg7[%scan3A_216] : memref<2256xf32, #tpu.memory_space<vmem>>[vector<16xi32>], vector<16xf32>,
      %gather3A_248 = tpu.vector_load_idx %arg7[%scan3A_217] : memref<2256xf32, #tpu.memory_space<vmem>>[vector<16xi32>], vector<16xf32>,
      %swap3A = arith.constant 0 : i32
      %swap3A_249 = arith.index_cast %scan3A_213 : i32 to index
      %swap3A_250 = arith.index_cast %swap3A : i32 to index
      %swap3A_251 = arith.constant 0 : index
      %swap3A_252 = tpu.vector_load %arg8[%swap3A_249, %swap3A_250, %swap3A_251] {strides = array<i32>} : memref<47x1x512xf32, #tpu.memory_space<vmem>>, vector<16xf32>,
      tpu.vector_store %arg8[%swap3A_249, %swap3A_250, %swap3A_251], %gather3A {strides = array<i32>} : memref<47x1x512xf32, #tpu.memory_space<vmem>>, vector<16xf32>,
      %swap3A_253 = arith.constant 0 : i32
      %swap3A_254 = arith.index_cast %scan3A_213 : i32 to index
      %swap3A_255 = arith.index_cast %swap3A_253 : i32 to index
      %swap3A_256 = arith.constant 16 : index
      %swap3A_257 = tpu.vector_load %arg8[%swap3A_254, %swap3A_255, %swap3A_256] {strides = array<i32>} : memref<47x1x512xf32, #tpu.memory_space<vmem>>, vector<16xf32>,
      tpu.vector_store %arg8[%swap3A_254, %swap3A_255, %swap3A_256], %gather3A_246 {strides = array<i32>} : memref<47x1x512xf32, #tpu.memory_space<vmem>>, vector<16xf32>,
      %swap3A_258 = arith.constant 0 : i32
      %swap3A_259 = arith.index_cast %scan3A_213 : i32 to index
      %swap3A_260 = arith.index_cast %swap3A_258 : i32 to index
      %swap3A_261 = arith.constant 32 : index
      %swap3A_262 = tpu.vector_load %arg8[%swap3A_259, %swap3A_260, %swap3A_261] {strides = array<i32>} : memref<47x1x512xf32, #tpu.memory_space<vmem>>, vector<16xf32>,
      tpu.vector_store %arg8[%swap3A_259, %swap3A_260, %swap3A_261], %gather3A_247 {strides = array<i32>} : memref<47x1x512xf32, #tpu.memory_space<vmem>>, vector<16xf32>,
      %swap3A_263 = arith.constant 0 : i32
      %swap3A_264 = arith.index_cast %scan3A_213 : i32 to index
      %swap3A_265 = arith.index_cast %swap3A_263 : i32 to index
      %swap3A_266 = arith.constant 48 : index
      %swap3A_267 = tpu.vector_load %arg8[%swap3A_264, %swap3A_265, %swap3A_266] {strides = array<i32>} : memref<47x1x512xf32, #tpu.memory_space<vmem>>, vector<16xf32>,
      tpu.vector_store %arg8[%swap3A_264, %swap3A_265, %swap3A_266], %gather3A_248 {strides = array<i32>} : memref<47x1x512xf32, #tpu.memory_space<vmem>>, vector<16xf32>,
      %gather3A_268 = tpu.vector_load_idx %arg7[%scan3A_218] : memref<2256xf32, #tpu.memory_space<vmem>>[vector<16xi32>], vector<16xf32>,
      %gather3A_269 = tpu.vector_load_idx %arg7[%scan3A_219] : memref<2256xf32, #tpu.memory_space<vmem>>[vector<16xi32>], vector<16xf32>,
      %gather3A_270 = tpu.vector_load_idx %arg7[%scan3A_220] : memref<2256xf32, #tpu.memory_space<vmem>>[vector<16xi32>], vector<16xf32>,
      %gather3A_271 = tpu.vector_load_idx %arg7[%scan3A_221] : memref<2256xf32, #tpu.memory_space<vmem>>[vector<16xi32>], vector<16xf32>,
      %swap3A_272 = arith.constant 0 : i32
      %swap3A_273 = arith.index_cast %scan3A_213 : i32 to index
      %swap3A_274 = arith.index_cast %swap3A_272 : i32 to index
      %swap3A_275 = arith.constant 64 : index
      %swap3A_276 = tpu.vector_load %arg8[%swap3A_273, %swap3A_274, %swap3A_275] {strides = array<i32>} : memref<47x1x512xf32, #tpu.memory_space<vmem>>, vector<16xf32>,
      tpu.vector_store %arg8[%swap3A_273, %swap3A_274, %swap3A_275], %gather3A_268 {strides = array<i32>} : memref<47x1x512xf32, #tpu.memory_space<vmem>>, vector<16xf32>,
      %swap3A_277 = arith.constant 0 : i32
      %swap3A_278 = arith.index_cast %scan3A_213 : i32 to index
      %swap3A_279 = arith.index_cast %swap3A_277 : i32 to index
      %swap3A_280 = arith.constant 80 : index
      %swap3A_281 = tpu.vector_load %arg8[%swap3A_278, %swap3A_279, %swap3A_280] {strides = array<i32>} : memref<47x1x512xf32, #tpu.memory_space<vmem>>, vector<16xf32>,
      tpu.vector_store %arg8[%swap3A_278, %swap3A_279, %swap3A_280], %gather3A_269 {strides = array<i32>} : memref<47x1x512xf32, #tpu.memory_space<vmem>>, vector<16xf32>,
      %swap3A_282 = arith.constant 0 : i32
      %swap3A_283 = arith.index_cast %scan3A_213 : i32 to index
      %swap3A_284 = arith.index_cast %swap3A_282 : i32 to index
      %swap3A_285 = arith.constant 96 : index
      %swap3A_286 = tpu.vector_load %arg8[%swap3A_283, %swap3A_284, %swap3A_285] {strides = array<i32>} : memref<47x1x512xf32, #tpu.memory_space<vmem>>, vector<16xf32>,
      tpu.vector_store %arg8[%swap3A_283, %swap3A_284, %swap3A_285], %gather3A_270 {strides = array<i32>} : memref<47x1x512xf32, #tpu.memory_space<vmem>>, vector<16xf32>,
      %swap3A_287 = arith.constant 0 : i32
      %swap3A_288 = arith.index_cast %scan3A_213 : i32 to index
      %swap3A_289 = arith.index_cast %swap3A_287 : i32 to index
      %swap3A_290 = arith.constant 112 : index
      %swap3A_291 = tpu.vector_load %arg8[%swap3A_288, %swap3A_289, %swap3A_290] {strides = array<i32>} : memref<47x1x512xf32, #tpu.memory_space<vmem>>, vector<16xf32>,
      tpu.vector_store %arg8[%swap3A_288, %swap3A_289, %swap3A_290], %gather3A_271 {strides = array<i32>} : memref<47x1x512xf32, #tpu.memory_space<vmem>>, vector<16xf32>,
      %gather3A_292 = tpu.vector_load_idx %arg7[%scan3A_222] : memref<2256xf32, #tpu.memory_space<vmem>>[vector<16xi32>], vector<16xf32>,
      %gather3A_293 = tpu.vector_load_idx %arg7[%scan3A_223] : memref<2256xf32, #tpu.memory_space<vmem>>[vector<16xi32>], vector<16xf32>,
      %gather3A_294 = tpu.vector_load_idx %arg7[%scan3A_224] : memref<2256xf32, #tpu.memory_space<vmem>>[vector<16xi32>], vector<16xf32>,
      %gather3A_295 = tpu.vector_load_idx %arg7[%scan3A_225] : memref<2256xf32, #tpu.memory_space<vmem>>[vector<16xi32>], vector<16xf32>,
      %swap3A_296 = arith.constant 0 : i32
      %swap3A_297 = arith.index_cast %scan3A_213 : i32 to index
      %swap3A_298 = arith.index_cast %swap3A_296 : i32 to index
      %swap3A_299 = arith.constant 128 : index
      %swap3A_300 = tpu.vector_load %arg8[%swap3A_297, %swap3A_298, %swap3A_299] {strides = array<i32>} : memref<47x1x512xf32, #tpu.memory_space<vmem>>, vector<16xf32>,
      tpu.vector_store %arg8[%swap3A_297, %swap3A_298, %swap3A_299], %gather3A_292 {strides = array<i32>} : memref<47x1x512xf32, #tpu.memory_space<vmem>>, vector<16xf32>,
      %swap3A_301 = arith.constant 0 : i32
      %swap3A_302 = arith.index_cast %scan3A_213 : i32 to index
      %swap3A_303 = arith.index_cast %swap3A_301 : i32 to index
      %swap3A_304 = arith.constant 144 : index
      %swap3A_305 = tpu.vector_load %arg8[%swap3A_302, %swap3A_303, %swap3A_304] {strides = array<i32>} : memref<47x1x512xf32, #tpu.memory_space<vmem>>, vector<16xf32>,
      tpu.vector_store %arg8[%swap3A_302, %swap3A_303, %swap3A_304], %gather3A_293 {strides = array<i32>} : memref<47x1x512xf32, #tpu.memory_space<vmem>>, vector<16xf32>,
      %swap3A_306 = arith.constant 0 : i32
      %swap3A_307 = arith.index_cast %scan3A_213 : i32 to index
      %swap3A_308 = arith.index_cast %swap3A_306 : i32 to index
      %swap3A_309 = arith.constant 160 : index
      %swap3A_310 = tpu.vector_load %arg8[%swap3A_307, %swap3A_308, %swap3A_309] {strides = array<i32>} : memref<47x1x512xf32, #tpu.memory_space<vmem>>, vector<16xf32>,
      tpu.vector_store %arg8[%swap3A_307, %swap3A_308, %swap3A_309], %gather3A_294 {strides = array<i32>} : memref<47x1x512xf32, #tpu.memory_space<vmem>>, vector<16xf32>,
      %swap3A_311 = arith.constant 0 : i32
      %swap3A_312 = arith.index_cast %scan3A_213 : i32 to index
      %swap3A_313 = arith.index_cast %swap3A_311 : i32 to index
      %swap3A_314 = arith.constant 176 : index
      %swap3A_315 = tpu.vector_load %arg8[%swap3A_312, %swap3A_313, %swap3A_314] {strides = array<i32>} : memref<47x1x512xf32, #tpu.memory_space<vmem>>, vector<16xf32>,
      tpu.vector_store %arg8[%swap3A_312, %swap3A_313, %swap3A_314], %gather3A_295 {strides = array<i32>} : memref<47x1x512xf32, #tpu.memory_space<vmem>>, vector<16xf32>,
      %gather3A_316 = tpu.vector_load_idx %arg7[%scan3A_226] : memref<2256xf32, #tpu.memory_space<vmem>>[vector<16xi32>], vector<16xf32>,
      %gather3A_317 = tpu.vector_load_idx %arg7[%scan3A_227] : memref<2256xf32, #tpu.memory_space<vmem>>[vector<16xi32>], vector<16xf32>,
      %gather3A_318 = tpu.vector_load_idx %arg7[%scan3A_228] : memref<2256xf32, #tpu.memory_space<vmem>>[vector<16xi32>], vector<16xf32>,
      %gather3A_319 = tpu.vector_load_idx %arg7[%scan3A_229] : memref<2256xf32, #tpu.memory_space<vmem>>[vector<16xi32>], vector<16xf32>,
      %swap3A_320 = arith.constant 0 : i32
      %swap3A_321 = arith.index_cast %scan3A_213 : i32 to index
      %swap3A_322 = arith.index_cast %swap3A_320 : i32 to index
      %swap3A_323 = arith.constant 192 : index
      %swap3A_324 = tpu.vector_load %arg8[%swap3A_321, %swap3A_322, %swap3A_323] {strides = array<i32>} : memref<47x1x512xf32, #tpu.memory_space<vmem>>, vector<16xf32>,
      tpu.vector_store %arg8[%swap3A_321, %swap3A_322, %swap3A_323], %gather3A_316 {strides = array<i32>} : memref<47x1x512xf32, #tpu.memory_space<vmem>>, vector<16xf32>,
      %swap3A_325 = arith.constant 0 : i32
      %swap3A_326 = arith.index_cast %scan3A_213 : i32 to index
      %swap3A_327 = arith.index_cast %swap3A_325 : i32 to index
      %swap3A_328 = arith.constant 208 : index
      %swap3A_329 = tpu.vector_load %arg8[%swap3A_326, %swap3A_327, %swap3A_328] {strides = array<i32>} : memref<47x1x512xf32, #tpu.memory_space<vmem>>, vector<16xf32>,
      tpu.vector_store %arg8[%swap3A_326, %swap3A_327, %swap3A_328], %gather3A_317 {strides = array<i32>} : memref<47x1x512xf32, #tpu.memory_space<vmem>>, vector<16xf32>,
      %swap3A_330 = arith.constant 0 : i32
      %swap3A_331 = arith.index_cast %scan3A_213 : i32 to index
      %swap3A_332 = arith.index_cast %swap3A_330 : i32 to index
      %swap3A_333 = arith.constant 224 : index
      %swap3A_334 = tpu.vector_load %arg8[%swap3A_331, %swap3A_332, %swap3A_333] {strides = array<i32>} : memref<47x1x512xf32, #tpu.memory_space<vmem>>, vector<16xf32>,
      tpu.vector_store %arg8[%swap3A_331, %swap3A_332, %swap3A_333], %gather3A_318 {strides = array<i32>} : memref<47x1x512xf32, #tpu.memory_space<vmem>>, vector<16xf32>,
      %swap3A_335 = arith.constant 0 : i32
      %swap3A_336 = arith.index_cast %scan3A_213 : i32 to index
      %swap3A_337 = arith.index_cast %swap3A_335 : i32 to index
      %swap3A_338 = arith.constant 240 : index
      %swap3A_339 = tpu.vector_load %arg8[%swap3A_336, %swap3A_337, %swap3A_338] {strides = array<i32>} : memref<47x1x512xf32, #tpu.memory_space<vmem>>, vector<16xf32>,
      tpu.vector_store %arg8[%swap3A_336, %swap3A_337, %swap3A_338], %gather3A_319 {strides = array<i32>} : memref<47x1x512xf32, #tpu.memory_space<vmem>>, vector<16xf32>,
      %gather3A_340 = tpu.vector_load_idx %arg7[%scan3A_230] : memref<2256xf32, #tpu.memory_space<vmem>>[vector<16xi32>], vector<16xf32>,
      %gather3A_341 = tpu.vector_load_idx %arg7[%scan3A_231] : memref<2256xf32, #tpu.memory_space<vmem>>[vector<16xi32>], vector<16xf32>,
      %gather3A_342 = tpu.vector_load_idx %arg7[%scan3A_232] : memref<2256xf32, #tpu.memory_space<vmem>>[vector<16xi32>], vector<16xf32>,
      %gather3A_343 = tpu.vector_load_idx %arg7[%scan3A_233] : memref<2256xf32, #tpu.memory_space<vmem>>[vector<16xi32>], vector<16xf32>,
      %swap3A_344 = arith.constant 0 : i32
      %swap3A_345 = arith.index_cast %scan3A_213 : i32 to index
      %swap3A_346 = arith.index_cast %swap3A_344 : i32 to index
      %swap3A_347 = arith.constant 256 : index
      %swap3A_348 = tpu.vector_load %arg8[%swap3A_345, %swap3A_346, %swap3A_347] {strides = array<i32>} : memref<47x1x512xf32, #tpu.memory_space<vmem>>, vector<16xf32>,
      tpu.vector_store %arg8[%swap3A_345, %swap3A_346, %swap3A_347], %gather3A_340 {strides = array<i32>} : memref<47x1x512xf32, #tpu.memory_space<vmem>>, vector<16xf32>,
      %swap3A_349 = arith.constant 0 : i32
      %swap3A_350 = arith.index_cast %scan3A_213 : i32 to index
      %swap3A_351 = arith.index_cast %swap3A_349 : i32 to index
      %swap3A_352 = arith.constant 272 : index
      %swap3A_353 = tpu.vector_load %arg8[%swap3A_350, %swap3A_351, %swap3A_352] {strides = array<i32>} : memref<47x1x512xf32, #tpu.memory_space<vmem>>, vector<16xf32>,
      tpu.vector_store %arg8[%swap3A_350, %swap3A_351, %swap3A_352], %gather3A_341 {strides = array<i32>} : memref<47x1x512xf32, #tpu.memory_space<vmem>>, vector<16xf32>,
      %swap3A_354 = arith.constant 0 : i32
      %swap3A_355 = arith.index_cast %scan3A_213 : i32 to index
      %swap3A_356 = arith.index_cast %swap3A_354 : i32 to index
      %swap3A_357 = arith.constant 288 : index
      %swap3A_358 = tpu.vector_load %arg8[%swap3A_355, %swap3A_356, %swap3A_357] {strides = array<i32>} : memref<47x1x512xf32, #tpu.memory_space<vmem>>, vector<16xf32>,
      tpu.vector_store %arg8[%swap3A_355, %swap3A_356, %swap3A_357], %gather3A_342 {strides = array<i32>} : memref<47x1x512xf32, #tpu.memory_space<vmem>>, vector<16xf32>,
      %swap3A_359 = arith.constant 0 : i32
      %swap3A_360 = arith.index_cast %scan3A_213 : i32 to index
      %swap3A_361 = arith.index_cast %swap3A_359 : i32 to index
      %swap3A_362 = arith.constant 304 : index
      %swap3A_363 = tpu.vector_load %arg8[%swap3A_360, %swap3A_361, %swap3A_362] {strides = array<i32>} : memref<47x1x512xf32, #tpu.memory_space<vmem>>, vector<16xf32>,
      tpu.vector_store %arg8[%swap3A_360, %swap3A_361, %swap3A_362], %gather3A_343 {strides = array<i32>} : memref<47x1x512xf32, #tpu.memory_space<vmem>>, vector<16xf32>,
      %gather3A_364 = tpu.vector_load_idx %arg7[%scan3A_234] : memref<2256xf32, #tpu.memory_space<vmem>>[vector<16xi32>], vector<16xf32>,
      %gather3A_365 = tpu.vector_load_idx %arg7[%scan3A_235] : memref<2256xf32, #tpu.memory_space<vmem>>[vector<16xi32>], vector<16xf32>,
      %gather3A_366 = tpu.vector_load_idx %arg7[%scan3A_236] : memref<2256xf32, #tpu.memory_space<vmem>>[vector<16xi32>], vector<16xf32>,
      %gather3A_367 = tpu.vector_load_idx %arg7[%scan3A_237] : memref<2256xf32, #tpu.memory_space<vmem>>[vector<16xi32>], vector<16xf32>,
      %swap3A_368 = arith.constant 0 : i32
      %swap3A_369 = arith.index_cast %scan3A_213 : i32 to index
      %swap3A_370 = arith.index_cast %swap3A_368 : i32 to index
      %swap3A_371 = arith.constant 320 : index
      %swap3A_372 = tpu.vector_load %arg8[%swap3A_369, %swap3A_370, %swap3A_371] {strides = array<i32>} : memref<47x1x512xf32, #tpu.memory_space<vmem>>, vector<16xf32>,
      tpu.vector_store %arg8[%swap3A_369, %swap3A_370, %swap3A_371], %gather3A_364 {strides = array<i32>} : memref<47x1x512xf32, #tpu.memory_space<vmem>>, vector<16xf32>,
      %swap3A_373 = arith.constant 0 : i32
      %swap3A_374 = arith.index_cast %scan3A_213 : i32 to index
      %swap3A_375 = arith.index_cast %swap3A_373 : i32 to index
      %swap3A_376 = arith.constant 336 : index
      %swap3A_377 = tpu.vector_load %arg8[%swap3A_374, %swap3A_375, %swap3A_376] {strides = array<i32>} : memref<47x1x512xf32, #tpu.memory_space<vmem>>, vector<16xf32>,
      tpu.vector_store %arg8[%swap3A_374, %swap3A_375, %swap3A_376], %gather3A_365 {strides = array<i32>} : memref<47x1x512xf32, #tpu.memory_space<vmem>>, vector<16xf32>,
      %swap3A_378 = arith.constant 0 : i32
      %swap3A_379 = arith.index_cast %scan3A_213 : i32 to index
      %swap3A_380 = arith.index_cast %swap3A_378 : i32 to index
      %swap3A_381 = arith.constant 352 : index
      %swap3A_382 = tpu.vector_load %arg8[%swap3A_379, %swap3A_380, %swap3A_381] {strides = array<i32>} : memref<47x1x512xf32, #tpu.memory_space<vmem>>, vector<16xf32>,
      tpu.vector_store %arg8[%swap3A_379, %swap3A_380, %swap3A_381], %gather3A_366 {strides = array<i32>} : memref<47x1x512xf32, #tpu.memory_space<vmem>>, vector<16xf32>,
      %swap3A_383 = arith.constant 0 : i32
      %swap3A_384 = arith.index_cast %scan3A_213 : i32 to index
      %swap3A_385 = arith.index_cast %swap3A_383 : i32 to index
      %swap3A_386 = arith.constant 368 : index
      %swap3A_387 = tpu.vector_load %arg8[%swap3A_384, %swap3A_385, %swap3A_386] {strides = array<i32>} : memref<47x1x512xf32, #tpu.memory_space<vmem>>, vector<16xf32>,
      tpu.vector_store %arg8[%swap3A_384, %swap3A_385, %swap3A_386], %gather3A_367 {strides = array<i32>} : memref<47x1x512xf32, #tpu.memory_space<vmem>>, vector<16xf32>,
      %gather3A_388 = tpu.vector_load_idx %arg7[%scan3A_238] : memref<2256xf32, #tpu.memory_space<vmem>>[vector<16xi32>], vector<16xf32>,
      %gather3A_389 = tpu.vector_load_idx %arg7[%scan3A_239] : memref<2256xf32, #tpu.memory_space<vmem>>[vector<16xi32>], vector<16xf32>,
      %gather3A_390 = tpu.vector_load_idx %arg7[%scan3A_240] : memref<2256xf32, #tpu.memory_space<vmem>>[vector<16xi32>], vector<16xf32>,
      %gather3A_391 = tpu.vector_load_idx %arg7[%scan3A_241] : memref<2256xf32, #tpu.memory_space<vmem>>[vector<16xi32>], vector<16xf32>,
      %swap3A_392 = arith.constant 0 : i32
      %swap3A_393 = arith.index_cast %scan3A_213 : i32 to index
      %swap3A_394 = arith.index_cast %swap3A_392 : i32 to index
      %swap3A_395 = arith.constant 384 : index
      %swap3A_396 = tpu.vector_load %arg8[%swap3A_393, %swap3A_394, %swap3A_395] {strides = array<i32>} : memref<47x1x512xf32, #tpu.memory_space<vmem>>, vector<16xf32>,
      tpu.vector_store %arg8[%swap3A_393, %swap3A_394, %swap3A_395], %gather3A_388 {strides = array<i32>} : memref<47x1x512xf32, #tpu.memory_space<vmem>>, vector<16xf32>,
      %swap3A_397 = arith.constant 0 : i32
      %swap3A_398 = arith.index_cast %scan3A_213 : i32 to index
      %swap3A_399 = arith.index_cast %swap3A_397 : i32 to index
      %swap3A_400 = arith.constant 400 : index
      %swap3A_401 = tpu.vector_load %arg8[%swap3A_398, %swap3A_399, %swap3A_400] {strides = array<i32>} : memref<47x1x512xf32, #tpu.memory_space<vmem>>, vector<16xf32>,
      tpu.vector_store %arg8[%swap3A_398, %swap3A_399, %swap3A_400], %gather3A_389 {strides = array<i32>} : memref<47x1x512xf32, #tpu.memory_space<vmem>>, vector<16xf32>,
      %swap3A_402 = arith.constant 0 : i32
      %swap3A_403 = arith.index_cast %scan3A_213 : i32 to index
      %swap3A_404 = arith.index_cast %swap3A_402 : i32 to index
      %swap3A_405 = arith.constant 416 : index
      %swap3A_406 = tpu.vector_load %arg8[%swap3A_403, %swap3A_404, %swap3A_405] {strides = array<i32>} : memref<47x1x512xf32, #tpu.memory_space<vmem>>, vector<16xf32>,
      tpu.vector_store %arg8[%swap3A_403, %swap3A_404, %swap3A_405], %gather3A_390 {strides = array<i32>} : memref<47x1x512xf32, #tpu.memory_space<vmem>>, vector<16xf32>,
      %swap3A_407 = arith.constant 0 : i32
      %swap3A_408 = arith.index_cast %scan3A_213 : i32 to index
      %swap3A_409 = arith.index_cast %swap3A_407 : i32 to index
      %swap3A_410 = arith.constant 432 : index
      %swap3A_411 = tpu.vector_load %arg8[%swap3A_408, %swap3A_409, %swap3A_410] {strides = array<i32>} : memref<47x1x512xf32, #tpu.memory_space<vmem>>, vector<16xf32>,
      tpu.vector_store %arg8[%swap3A_408, %swap3A_409, %swap3A_410], %gather3A_391 {strides = array<i32>} : memref<47x1x512xf32, #tpu.memory_space<vmem>>, vector<16xf32>,
      %gather3A_412 = tpu.vector_load_idx %arg7[%scan3A_242] : memref<2256xf32, #tpu.memory_space<vmem>>[vector<16xi32>], vector<16xf32>,
      %gather3A_413 = tpu.vector_load_idx %arg7[%scan3A_243] : memref<2256xf32, #tpu.memory_space<vmem>>[vector<16xi32>], vector<16xf32>,
      %gather3A_414 = tpu.vector_load_idx %arg7[%scan3A_244] : memref<2256xf32, #tpu.memory_space<vmem>>[vector<16xi32>], vector<16xf32>,
      %gather3A_415 = tpu.vector_load_idx %arg7[%scan3A_245] : memref<2256xf32, #tpu.memory_space<vmem>>[vector<16xi32>], vector<16xf32>,
      %swap3A_416 = arith.constant 0 : i32
      %swap3A_417 = arith.index_cast %scan3A_213 : i32 to index
      %swap3A_418 = arith.index_cast %swap3A_416 : i32 to index
      %swap3A_419 = arith.constant 448 : index
      %swap3A_420 = tpu.vector_load %arg8[%swap3A_417, %swap3A_418, %swap3A_419] {strides = array<i32>} : memref<47x1x512xf32, #tpu.memory_space<vmem>>, vector<16xf32>,
      tpu.vector_store %arg8[%swap3A_417, %swap3A_418, %swap3A_419], %gather3A_412 {strides = array<i32>} : memref<47x1x512xf32, #tpu.memory_space<vmem>>, vector<16xf32>,
      %swap3A_421 = arith.constant 0 : i32
      %swap3A_422 = arith.index_cast %scan3A_213 : i32 to index
      %swap3A_423 = arith.index_cast %swap3A_421 : i32 to index
      %swap3A_424 = arith.constant 464 : index
      %swap3A_425 = tpu.vector_load %arg8[%swap3A_422, %swap3A_423, %swap3A_424] {strides = array<i32>} : memref<47x1x512xf32, #tpu.memory_space<vmem>>, vector<16xf32>,
      tpu.vector_store %arg8[%swap3A_422, %swap3A_423, %swap3A_424], %gather3A_413 {strides = array<i32>} : memref<47x1x512xf32, #tpu.memory_space<vmem>>, vector<16xf32>,
      %swap3A_426 = arith.constant 0 : i32
      %swap3A_427 = arith.index_cast %scan3A_213 : i32 to index
      %swap3A_428 = arith.index_cast %swap3A_426 : i32 to index
      %swap3A_429 = arith.constant 480 : index
      %swap3A_430 = tpu.vector_load %arg8[%swap3A_427, %swap3A_428, %swap3A_429] {strides = array<i32>} : memref<47x1x512xf32, #tpu.memory_space<vmem>>, vector<16xf32>,
      tpu.vector_store %arg8[%swap3A_427, %swap3A_428, %swap3A_429], %gather3A_414 {strides = array<i32>} : memref<47x1x512xf32, #tpu.memory_space<vmem>>, vector<16xf32>,
      %swap3A_431 = arith.constant 0 : i32
      %swap3A_432 = arith.index_cast %scan3A_213 : i32 to index
      %swap3A_433 = arith.index_cast %swap3A_431 : i32 to index
      %swap3A_434 = arith.constant 496 : index
      %swap3A_435 = tpu.vector_load %arg8[%swap3A_432, %swap3A_433, %swap3A_434] {strides = array<i32>} : memref<47x1x512xf32, #tpu.memory_space<vmem>>, vector<16xf32>,
      tpu.vector_store %arg8[%swap3A_432, %swap3A_433, %swap3A_434], %gather3A_415 {strides = array<i32>} : memref<47x1x512xf32, #tpu.memory_space<vmem>>, vector<16xf32>,
      %add3A_436 = arith.constant 1 : i32
      %add3A_437 = vector.broadcast %add3A_436 : i32 to vector<16xi32>
      %add3A_438 = arith.addi %scan3A_214, %add3A_437 : vector<16xi32>
      %add3A_439 = arith.constant 1 : i32
      %add3A_440 = vector.broadcast %add3A_439 : i32 to vector<16xi32>
      %add3A_441 = arith.addi %scan3A_215, %add3A_440 : vector<16xi32>
      %add3A_442 = arith.constant 1 : i32
      %add3A_443 = vector.broadcast %add3A_442 : i32 to vector<16xi32>
      %add3A_444 = arith.addi %scan3A_216, %add3A_443 : vector<16xi32>
      %add3A_445 = arith.constant 1 : i32
      %add3A_446 = vector.broadcast %add3A_445 : i32 to vector<16xi32>
      %add3A_447 = arith.addi %scan3A_217, %add3A_446 : vector<16xi32>
      %add3A_448 = arith.constant 1 : i32
      %add3A_449 = vector.broadcast %add3A_448 : i32 to vector<16xi32>
      %add3A_450 = arith.addi %scan3A_218, %add3A_449 : vector<16xi32>
      %add3A_451 = arith.constant 1 : i32
      %add3A_452 = vector.broadcast %add3A_451 : i32 to vector<16xi32>
      %add3A_453 = arith.addi %scan3A_219, %add3A_452 : vector<16xi32>
      %add3A_454 = arith.constant 1 : i32
      %add3A_455 = vector.broadcast %add3A_454 : i32 to vector<16xi32>
      %add3A_456 = arith.addi %scan3A_220, %add3A_455 : vector<16xi32>
      %add3A_457 = arith.constant 1 : i32
      %add3A_458 = vector.broadcast %add3A_457 : i32 to vector<16xi32>
      %add3A_459 = arith.addi %scan3A_221, %add3A_458 : vector<16xi32>
      %add3A_460 = arith.constant 1 : i32
      %add3A_461 = vector.broadcast %add3A_460 : i32 to vector<16xi32>
      %add3A_462 = arith.addi %scan3A_222, %add3A_461 : vector<16xi32>
      %add3A_463 = arith.constant 1 : i32
      %add3A_464 = vector.broadcast %add3A_463 : i32 to vector<16xi32>
      %add3A_465 = arith.addi %scan3A_223, %add3A_464 : vector<16xi32>
      %add3A_466 = arith.constant 1 : i32
      %add3A_467 = vector.broadcast %add3A_466 : i32 to vector<16xi32>
      %add3A_468 = arith.addi %scan3A_224, %add3A_467 : vector<16xi32>
      %add3A_469 = arith.constant 1 : i32
      %add3A_470 = vector.broadcast %add3A_469 : i32 to vector<16xi32>
      %add3A_471 = arith.addi %scan3A_225, %add3A_470 : vector<16xi32>
      %add3A_472 = arith.constant 1 : i32
      %add3A_473 = vector.broadcast %add3A_472 : i32 to vector<16xi32>
      %add3A_474 = arith.addi %scan3A_226, %add3A_473 : vector<16xi32>
      %add3A_475 = arith.constant 1 : i32
      %add3A_476 = vector.broadcast %add3A_475 : i32 to vector<16xi32>
      %add3A_477 = arith.addi %scan3A_227, %add3A_476 : vector<16xi32>
      %add3A_478 = arith.constant 1 : i32
      %add3A_479 = vector.broadcast %add3A_478 : i32 to vector<16xi32>
      %add3A_480 = arith.addi %scan3A_228, %add3A_479 : vector<16xi32>
      %add3A_481 = arith.constant 1 : i32
      %add3A_482 = vector.broadcast %add3A_481 : i32 to vector<16xi32>
      %add3A_483 = arith.addi %scan3A_229, %add3A_482 : vector<16xi32>
      %add3A_484 = arith.constant 1 : i32
      %add3A_485 = vector.broadcast %add3A_484 : i32 to vector<16xi32>
      %add3A_486 = arith.addi %scan3A_230, %add3A_485 : vector<16xi32>
      %add3A_487 = arith.constant 1 : i32
      %add3A_488 = vector.broadcast %add3A_487 : i32 to vector<16xi32>
      %add3A_489 = arith.addi %scan3A_231, %add3A_488 : vector<16xi32>
      %add3A_490 = arith.constant 1 : i32
      %add3A_491 = vector.broadcast %add3A_490 : i32 to vector<16xi32>
      %add3A_492 = arith.addi %scan3A_232, %add3A_491 : vector<16xi32>
      %add3A_493 = arith.constant 1 : i32
      %add3A_494 = vector.broadcast %add3A_493 : i32 to vector<16xi32>
      %add3A_495 = arith.addi %scan3A_233, %add3A_494 : vector<16xi32>
      %add3A_496 = arith.constant 1 : i32
      %add3A_497 = vector.broadcast %add3A_496 : i32 to vector<16xi32>
      %add3A_498 = arith.addi %scan3A_234, %add3A_497 : vector<16xi32>
      %add3A_499 = arith.constant 1 : i32
      %add3A_500 = vector.broadcast %add3A_499 : i32 to vector<16xi32>
      %add3A_501 = arith.addi %scan3A_235, %add3A_500 : vector<16xi32>
      %add3A_502 = arith.constant 1 : i32
      %add3A_503 = vector.broadcast %add3A_502 : i32 to vector<16xi32>
      %add3A_504 = arith.addi %scan3A_236, %add3A_503 : vector<16xi32>
      %add3A_505 = arith.constant 1 : i32
      %add3A_506 = vector.broadcast %add3A_505 : i32 to vector<16xi32>
      %add3A_507 = arith.addi %scan3A_237, %add3A_506 : vector<16xi32>
      %add3A_508 = arith.constant 1 : i32
      %add3A_509 = vector.broadcast %add3A_508 : i32 to vector<16xi32>
      %add3A_510 = arith.addi %scan3A_238, %add3A_509 : vector<16xi32>
      %add3A_511 = arith.constant 1 : i32
      %add3A_512 = vector.broadcast %add3A_511 : i32 to vector<16xi32>
      %add3A_513 = arith.addi %scan3A_239, %add3A_512 : vector<16xi32>
      %add3A_514 = arith.constant 1 : i32
      %add3A_515 = vector.broadcast %add3A_514 : i32 to vector<16xi32>
      %add3A_516 = arith.addi %scan3A_240, %add3A_515 : vector<16xi32>
      %add3A_517 = arith.constant 1 : i32
      %add3A_518 = vector.broadcast %add3A_517 : i32 to vector<16xi32>
      %add3A_519 = arith.addi %scan3A_241, %add3A_518 : vector<16xi32>
      %add3A_520 = arith.constant 1 : i32
      %add3A_521 = vector.broadcast %add3A_520 : i32 to vector<16xi32>
      %add3A_522 = arith.addi %scan3A_242, %add3A_521 : vector<16xi32>
      %add3A_523 = arith.constant 1 : i32
      %add3A_524 = vector.broadcast %add3A_523 : i32 to vector<16xi32>
      %add3A_525 = arith.addi %scan3A_243, %add3A_524 : vector<16xi32>
      %add3A_526 = arith.constant 1 : i32
      %add3A_527 = vector.broadcast %add3A_526 : i32 to vector<16xi32>
      %add3A_528 = arith.addi %scan3A_244, %add3A_527 : vector<16xi32>
      %add3A_529 = arith.constant 1 : i32
      %add3A_530 = vector.broadcast %add3A_529 : i32 to vector<16xi32>
      %add3A_531 = arith.addi %scan3A_245, %add3A_530 : vector<16xi32>
      scf.yield %add3A_438, %add3A_441, %add3A_444, %add3A_447, %add3A_450, %add3A_453, %add3A_456, %add3A_459, %add3A_462, %add3A_465, %add3A_468, %add3A_471, %add3A_474, %add3A_477, %add3A_480, %add3A_483, %add3A_486, %add3A_489, %add3A_492, %add3A_495, %add3A_498, %add3A_501, %add3A_504, %add3A_507, %add3A_510, %add3A_513, %add3A_516, %add3A_519, %add3A_522, %add3A_525, %add3A_528, %add3A_531 : vector<16xi32>, vector<16xi32>, vector<16xi32>, vector<16xi32>, vector<16xi32>, vector<16xi32>, vector<16xi32>, vector<16xi32>, vector<16xi32>, vector<16xi32>, vector<16xi32>, vector<16xi32>, vector<16xi32>, vector<16xi32>, vector<16xi32>, vector<16xi32>, vector<16xi32>, vector<16xi32>, vector<16xi32>, vector<16xi32>, vector<16xi32>, vector<16xi32>, vector<16xi32>, vector<16xi32>, vector<16xi32>, vector<16xi32>, vector<16xi32>, vector<16xi32>, vector<16xi32>, vector<16xi32>, vector<16xi32>, vector<16xi32>
    }
    %scan3A_212 = arith.constant 47 : i32
    "tpu.trace_stop"() : () -> ()
    "tpu.trace_start"() <{level = 10 : i32, message = "drain"}> : () -> ()
    "tpu.region"() ({
      %run_scoped3A = tpu.sem_alloc : memref<!tpu.dma_semaphore, #tpu.memory_space<semaphore_mem>>
      %dma_start3A_213 = arith.constant 0 : i32
      %dma_start3A_214 = arith.constant 0 : i32
      %dma_start3A_215 = tpu.memref_slice %arg4[%dma_start3A_213, %dma_start3A_214, %mul3A_206] : memref<47x1x16384xf32, #tpu.memory_space<hbm>> -> memref<47x1x512xf32, #tpu.memory_space<hbm>>
      %dma_start3A_216 = arith.constant 0 : i32
      %dma_start3A_217 = arith.constant 0 : i32
      %dma_start3A_218 = tpu.memref_slice %arg4[%dma_start3A_216, %dma_start3A_217, %mul3A_206] : memref<47x1x16384xf32, #tpu.memory_space<hbm>> -> memref<47x1x512xf32, #tpu.memory_space<hbm>>
      tpu.enqueue_dma source(%arg8 : memref<47x1x512xf32, #tpu.memory_space<vmem>>) target(%dma_start3A_218 : memref<47x1x512xf32, #tpu.memory_space<hbm>>) target_semaphore(%run_scoped3A : memref<!tpu.dma_semaphore, #tpu.memory_space<semaphore_mem>>)
      %dma_wait3A_219 = arith.constant 0 : i32
      %dma_wait3A_220 = arith.constant 0 : i32
      %dma_wait3A_221 = tpu.memref_slice %arg4[%dma_wait3A_219, %dma_wait3A_220, %mul3A_206] : memref<47x1x16384xf32, #tpu.memory_space<hbm>> -> memref<47x1x512xf32, #tpu.memory_space<hbm>>
      %dma_wait3A_222 = arith.constant 0 : i32
      %dma_wait3A_223 = arith.constant 0 : i32
      %dma_wait3A_224 = tpu.memref_slice %arg4[%dma_wait3A_222, %dma_wait3A_223, %mul3A_206] : memref<47x1x16384xf32, #tpu.memory_space<hbm>> -> memref<47x1x512xf32, #tpu.memory_space<hbm>>
      tpu.wait_dma2 semaphore(%run_scoped3A : memref<!tpu.dma_semaphore, #tpu.memory_space<semaphore_mem>>) src(%arg8 : memref<47x1x512xf32, #tpu.memory_space<vmem>>) dst(%dma_wait3A_224 : memref<47x1x512xf32, #tpu.memory_space<hbm>>)
      tpu.yield
    }) : () -> ()
    "tpu.trace_stop"() : () -> ()
    return
  }
}

</mosaic_0001>

<sc_bundles>
// kernel: kernel.3.cloned.1.call-start
scs
__scs_entry_jumppad:
0x0: {  	(pc) =	sbr.rel $0x88, $3  }
0x1: {  	(tag) =	ssettag $0x0;
	lr =	simm.s32 $0x1  }
0x2: {  	[smem:$0x3F9D] =	sst lr;
	_ =	strace $0xD0000000  }
0x3: {  	_ = 	snop  }
0x4: {  	_ = 	snop  }
0x5: {  	_ = 	snop  }
0x6: {  	_ = 	snop  }
0x7: {  	_ = 	snop  }
__scs_overlays_trampoline_lowered:
0x8: {  	[smem:$0x3FAC] =	sst s0  }
0x9: {  	[smem:$0x3FAD] =	sst s1  }
0xa: {  	[smem:$0x3FAE] =	sst s2  }
0xb: {  	[smem:$0x3FAF] =	sst s3  }
0xc: {  	[smem:$0x3FB0] =	sst s4  }
0xd: {  	[smem:$0x3FB1] =	sst s5  }
0xe: {  	[smem:$0x3FB2] =	sst s6  }
0xf: {  	[smem:$0x3FB3] =	sst s7  }
0x10: {  	[smem:$0x3FB4] =	sst s8  }
0x11: {  	[smem:$0x3FB5] =	sst s9;
	s0 =	simm.s32 @!p0 $0x0  }
0x12: {  	s1 =	sld [smem:$0x3F9B];
	s0 =	simm.s32 @p0 $0x1  }
0x13: {  	[smem:$0x3FB6] =	sst s0;
	s0 =	simm.s32 @!p1 $0x0  }
0x14: {  	s2 =	sld [smem:$0x3F9A];
	s0 =	simm.s32 @p1 $0x1  }
0x15: {  	[smem:$0x3FB7] =	sst s0;
	s0 =	simm.s32 @!p2 $0x0  }
0x16: {  	s3 =	sld [smem:$0x3FDB];
	s0 =	simm.s32 @p2 $0x1  }
0x17: {  	s4 =	simm.s32 $0x1BF5;
	[smem:$0x3FB9] =	sst s0  }
0x18: {  	s0 =	sld [smem:$0x3F9C];
	_ =	swait.ge [sflag:s4], $0x0  }
0x19: {  	s7 =	sld [smem:$0x3F9D]  }
0x1a: {  	s8 =	sadd.s32 $0xFFFFE003, lr  }
0x1b: {  	s9 =	sadd.s32 $0xFFFFFEF7, lr;
	s5 =	simm.s32 $0xFFFFFFFF;
	p2 =	slt.u32 s8, $0xFFFFF086  }
0x1c: {  	p1 =	slt.u32 s9, $0xF7A;
	s5 =	simm.s32 @!p2 $0x0  }
0x1d: {  	s5 =	simm.s32 @p1 $0x1;
	p0 =	seq.s32 s7, s2  }
0x1e: {  	s7 =	smul.u32 @!p0 $0xF7A, s2;
	p2 =	seq.s32 @!p0 s5, $0x0  }
0x1f: {  	s9 =	smul.u32 $0xF7A, s1;
	s8 =	simm.s32 @!p0 $0x1BF5;
	p2 =	por !p2, p0  }
0x20: {  	[sflag:s8] =	ssyncset.s32 @!p0 $0xFFFFF086;
	s6 =	sadd.s32 @!p0 s3, s7;
	s7 =	simm.s32 @!p0 $0x108  }
0x21: {  	s3 =	sadd.s32 s3, s9;
	s6 =	sadd.s32 @!p0 $0x88, s6;
	s7 =	simm.s32 @p2 $0x1082  }
0x22: {  	[simem:s7], [sflag:s8] =	dma.local @!p0 [hbm:s6], $0xF7A  }
0x23: {  	s9 =	sor.u32 $0xD0000000, s2;
	s6 =	simm.s32 $0x108;
	_ =	swait.ge @!p0 [sflag:s8], $0x0  }
0x24: {  	s3 =	sadd.s32 $0x88, s3;
	s6 =	simm.s32 @!p1 $0x1082;
	[sflag:s4] =	ssyncset.s32 $0xFFFFF086  }
0x25: {  	[simem:s6], [sflag:s4] =	dma.local [hbm:s3], $0xF7A  }
0x26: {  	[smem:$0x3F9D] =	sst s1;
	(tag) =	ssettag s2;
	_ =	strace s9  }
0x27: {  	s1 =	sld [smem:$0x3FAD]  }
0x28: {  	s2 =	sld [smem:$0x3FAE]  }
0x29: {  	s4 =	sld [smem:$0x3FB0]  }
0x2a: {  	p0 =	seq.s32 s5, $0x0;
	s5 =	sld [smem:$0x3FB1]  }
0x2b: {  	s6 =	sld [smem:$0x3FB2]  }
0x2c: {  	s7 =	sld [smem:$0x3FB3]  }
0x2d: {  	s3 =	simm.s32 $0x108;
	s8 =	sld [smem:$0x3FB4]  }
0x2e: {  	s3 =	simm.s32 @!p0 $0x1082;
	s9 =	sld [smem:$0x3FB5]  }
0x2f: {  	lr =	sadd.s32 s0, s3;
	s0 =	sld [smem:$0x3FAC]  }
0x30: {  	s3 =	sld [smem:$0x3FAF]  }
0x31: {  	[smem:$0x3FB8] =	sst s10  }
0x32: {  	s10 =	sld [smem:$0x3FB6];
	_ =	sdelay $0x3  }
0x33: {  	p0 =	seq.s32 s10, $0x1;
	s10 =	sld [smem:$0x3FB8];
	_ =	sdelay $0x3  }
0x34: {  	[smem:$0x3FB8] =	sst s10  }
0x35: {  	s10 =	sld [smem:$0x3FB7];
	_ =	sdelay $0x3  }
0x36: {  	p1 =	seq.s32 s10, $0x1;
	s10 =	sld [smem:$0x3FB8];
	_ =	sdelay $0x3  }
0x37: {  	[smem:$0x3FB8] =	sst s10  }
0x38: {  	s10 =	sld [smem:$0x3FB9]  }
0x39: {  	_ = 	snop;
	(pc) =	sbr.ind lr, $3  }
0x3a: {  	_ = 	snop  }
0x3b: {  	_ = 	snop  }
0x3c: {  	p2 =	seq.s32 s10, $0x1;
	s10 =	sld [smem:$0x3FB8]  }
0x3d: {  	_ =	shalt  }
0x3e: {  	_ =	shalt  }
0x3f: {  	_ =	shalt  }
0x40: {  	_ =	shalt  }
0x41: {  	_ =	shalt  }
0x42: {  	_ =	shalt  }
0x43: {  	_ =	shalt  }
0x44: {  	_ =	shalt  }
0x45: {  	_ =	shalt  }
0x46: {  	_ =	shalt  }
0x47: {  	_ =	shalt  }
0x48: {  	_ =	shalt  }
0x49: {  	_ =	shalt  }
0x4a: {  	_ =	shalt  }
0x4b: {  	_ =	shalt  }
0x4c: {  	_ =	shalt  }
0x4d: {  	_ =	shalt  }
0x4e: {  	_ =	shalt  }
0x4f: {  	_ =	shalt  }
0x50: {  	_ =	shalt  }
0x51: {  	_ =	shalt  }
0x52: {  	_ =	shalt  }
0x53: {  	_ =	shalt  }
0x54: {  	_ =	shalt  }
0x55: {  	_ =	shalt  }
0x56: {  	_ =	shalt  }
0x57: {  	_ =	shalt  }
0x58: {  	_ =	shalt  }
0x59: {  	_ =	shalt  }
0x5a: {  	_ =	shalt  }
0x5b: {  	_ =	shalt  }
0x5c: {  	_ =	shalt  }
0x5d: {  	_ =	shalt  }
0x5e: {  	_ =	shalt  }
0x5f: {  	_ =	shalt  }
0x60: {  	_ =	shalt  }
0x61: {  	_ =	shalt  }
0x62: {  	_ =	shalt  }
0x63: {  	_ =	shalt  }
0x64: {  	_ =	shalt  }
0x65: {  	_ =	shalt  }
0x66: {  	_ =	shalt  }
0x67: {  	_ =	shalt  }
0x68: {  	_ =	shalt  }
0x69: {  	_ =	shalt  }
0x6a: {  	_ =	shalt  }
0x6b: {  	_ =	shalt  }
0x6c: {  	_ =	shalt  }
0x6d: {  	_ =	shalt  }
0x6e: {  	_ =	shalt  }
0x6f: {  	_ =	shalt  }
0x70: {  	_ =	shalt  }
0x71: {  	_ =	shalt  }
0x72: {  	_ =	shalt  }
0x73: {  	_ =	shalt  }
0x74: {  	_ =	shalt  }
0x75: {  	_ =	shalt  }
0x76: {  	_ =	shalt  }
0x77: {  	_ =	shalt  }
0x78: {  	_ =	shalt  }
0x79: {  	_ =	shalt  }
0x7a: {  	_ =	shalt  }
0x7b: {  	_ =	shalt  }
0x7c: {  	_ =	shalt  }
0x7d: {  	_ =	shalt  }
0x7e: {  	_ =	shalt  }
0x7f: {  	_ =	shalt  }
0x80: {  	_ =	shalt  }
0x81: {  	_ =	shalt  }
0x82: {  	_ =	shalt  }
0x83: {  	_ =	shalt  }
0x84: {  	_ =	shalt  }
0x85: {  	_ =	shalt  }
0x86: {  	_ =	shalt  }
0x87: {  	_ =	shalt  }
.Lfunc_end0:
.L_simem_size_0:
called_computation_lowered:
.L_overlay_start_0:
0x88: {  	s2 =	sld [smem:$0x3FD9]  }
0x89: {  	s3 =	sld [smem:$0x3FFE];
	_ =	sdelay $0x1  }
0x8a: {  	s1 =	srdreg.scid  }
0x8b: {  	s0 =	sand.u32 $0x1, s1  }
0x8c: {  	s17 =	sshll.u32 s0, $0xA;
	s2 =	sadd.s32 s3, s2  }
0x8d: {  	s2 =	sadd.s32 s2, s17  }
0x8e: {  	[smem:$0x3FC4] =	sst s2  }
0x8f: {  	_ = 	snop  }
0x90: {  	s2 =	sld [smem:$0x3FC9]  }
0x91: {  	s18 =	sld [smem:$0x3FD0];
	(tm) =	ssettm $0x1  }
0x92: {  	s4 =	sld [smem:$0x3FFB];
	_ =	sdelay $0x3  }
0x93: {  	_ =	strace s4  }
0x94: {  	s4 =	sld [smem:$0x3FFC];
	_ =	sdelay $0x3  }
0x95: {  	_ =	strace s4  }
0x96: {  	s4 =	sld [smem:$0x3FFD];
	_ =	sdelay $0x3  }
0x97: {  	_ =	strace s4  }
0x98: {  	_ =	strace $0x8FFFFFFF  }
0x99: {  	s19 =	sld [smem:$0x3FDB];
	_ =	sdelay $0x1  }
0x9a: {  	s5 =	simm.s32 $_scs_section_size  }
0x9b: {  	s6 =	simm.s32 $_size__tile_overlayer_lowered;
	s7 =	simm.s32 $_tile_overlayer_lowered  }
0x9c: {  	s22 =	simm.s32 $0x1BFF;
	s21 =	sshll.u32 s7, $0x1;
	s4 =	sadd.s32 s5, s19  }
0x9d: {  	s8 =	simm.s32 $0x0;
	s20 =	sshll.u32 s6, $0x1;
	s6 =	sadd.s32 s21, s4  }
0x9e: {  	[timem:s8], [sflag:s22] =	dma.local [hbm:s6], s20  }
0x9f: {  	_ =	swait.ge [sflag:s22], s20  }
0xa0: {  	s5 =	ssub.s32 $0x0, s20;
	[sflag:s22] =	ssyncset.done $0x0  }
0xa1: {  	[sflag:s22] =	ssyncadd.s32 s5;
	_ =	sdelay $0x1  }
0xa2: {  	s23 =	simm.s32 $0x1B8B  }
0xa3: {  	_ =	swait.ge [sflag:s23], $0x1  }
0xa4: {  	[sflag:s23] =	ssyncset.done $0x0  }
0xa5: {  	s25 =	simm.s32 $0x1B8E;
	s24 =	sld [smem:$0x3FFE];
	[sflag:s23] =	ssyncadd.s32 $0xFFFFFFFF  }
0xa6: {  	s26 =	simm.s32 $execute0_lowered;
	[smem:$0x3FD2] =	sst s25  }
0xa7: {  	s6 =	sshll.u32 s26, $0x1;
	_ =	strace $0x80000046;
	[dreg:$0x1] =	wrdreg $0xFFFFFFFF  }
0xa8: {  	s28 =	simm.s32 $_size_execute0_lowered;
	s4 =	sadd.s32 s4, s6;
	[dreg:$0x0] =	wrdreg $0x0  }
0xa9: {  	s6 =	sshll.u32 s28, $0x1;
	[dreg:$0x2] =	wrdreg s4  }
0xaa: {  	[dreg:$0x3] =	wrdreg s6  }
0xab: {  	[dreg:$0x4] =	wrdreg $0xC0  }
0xac: {  	_ =	task [dreg:s8], $0x5FFFF  }
0xad: {  	[dreg:$0x1] =	wrdreg $0xFFFFFFFF  }
0xae: {  	[dreg:$0x0] =	wrdreg $0x60  }
0xaf: {  	[dreg:$0x2] =	wrdreg s2  }
0xb0: {  	[dreg:$0x3] =	wrdreg s24  }
0xb1: {  	[dreg:$0x4] =	wrdreg s18  }
0xb2: {  	[dreg:$0x5] =	wrdreg $0x9  }
0xb3: {  	_ =	task.clear_ibuf [dreg:s8], $0x6FFFF;
	_ =	strace $0x90000046  }
0xb4: {  	s29 =	simm.s32 $0x9;
	_ =	strace $0x8000004C  }
0xb5: {  	_ =	swait.ge [sflag:s29], $0x1  }
0xb6: {  	[sflag:s29] =	ssyncadd.s32 $0xFFFFFFFF  }
0xb7: {  	_ =	strace $0x9000004C  }
0xb8: {  	_ =	sfence  }
0xb9: {  	s30 =	sld [smem:$0x0];
	_ =	sdelay $0x2  }
0xba: {  	s31 =	sshll.u32 s1, $0xD;
	s1 =	sshrl.u32 s1, $0x2  }
0xbb: {  	s3 =	sand.u32 $0x4000, s31;
	s1 =	sadd.s32 s1, s30  }
0xbc: {  	s0 =	sor.u32 s3, s0;
	s1 =	sshll.u32 s1, $0x11  }
0xbd: {  	s0 =	sor.u32 s1, s0  }
0xbe: {  	s0 =	sadd.s32 $0x8F2B, s0  }
0xbf: {  	[sflag:s0] =	ssyncadd.remote.s32 $0x1  }
0xc0: {  	_ =	sfence.sel $0xFFFF  }
0xc1: {  	[dreg:$0x0] =	wrdreg $0xFFFFFFFF;
	(pc) =	sbr.abs _section_cstart, $3  }
0xc2: {  	[dreg:$0x1] =	wrdreg $0xFFFFFFFF  }
0xc3: {  	_ =	task.clear_ibuf [dreg:s8], $0x2FFFF;
	_ =	strace $0x9FFFFFFF  }
0xc4: {  	(tm) =	ssettm $0x7FFFFFFF  }
0xc5: {  	_ =	shalt  }
tec
execute0_lowered:
.L_overlay_start_1:
0x0: {  	(tag) =	ssettag $0x1  }
0x1: {  	s4 =	rddreg [dreg:$0x0]  }
0x2: {  	s3 =	rddreg [dreg:$0x1]  }
0x3: {  	s5 =	rddreg [dreg:$0x2]  }
0x4: {  	s0 =	rddreg [dreg:$0x3];
	s2 =	simm.s32 $0x0;
	s6 =	srdreg.scid  }
0x5: {  	s1 =	stileid.u32;
	s10 =	simm.s32 $0x420;
	s11 =	simm.s32 $0x4000  }
0x6: {  	s12 =	simm.s32 $0xCF0;
	s13 =	simm.s32 $0x0;
	[smem:$0x7FF] =	sst s2  }
0x7: {  	s6 =	sand.u32 $0x1, s6;
	s8 =	sshll.u32 s1, $0x7;
	s3 =	sadd.s32 $0x400, s3  }
0x8: {  	s7 =	ssub.s32 $0x2, s6;
	s6 =	sshll.u32 s6, $0x6;
	_ =	strace $0x80000047  }
0x9: {  	s9 =	sshrl.u32 s7, $0x1;
	s6 =	sor.u32 s6, s8;
	s8 =	simm.s32 $0x2  }
0xa: {  	s7 =	ssub.s32 s7, s9;
	s4 =	sadd.s32 s4, s6;
	s5 =	sadd.s32 s5, s6  }
0xb: {  	s9 =	simm.s32 $0x1;
	s6 =	smax.u32 s7, $0x1;
	s7 =	simm.s32 $0x200  }
.LBB2_1:
0xc: {  	[tilespmem:s2], [sflag:$0x1] =	stream.linear.gather [hbm4b:s4+s2], $0x200, $0x38;
	[tilespmem:$0x6AF0] =	vst v63  }
0xd: {  	_ = 	snop  }
0xe: {  	[tilespmem:s7], [sflag:$0x2] =	stream.linear.gather [hbm4b:s3+s2], $0x20F, $0x38;
	[tilespmem:$0x6AF0] =	vst v63  }
0xf: {  	_ =	swait.ge [sflag:s8], $0x20F  }
0x10: {  	[sflag:s8] =	ssyncset.done $0x0  }
0x11: {  	[sflag:s8] =	ssyncadd.s32 $0xFFFFFDF1  }
0x12: {  	v0 =	vld [tilespmem:$0x2F0]  }
0x13: {  	v1 =	vld [tilespmem:$0x300]  }
0x14: {  	v2 =	vld [tilespmem:$0x310]  }
0x15: {  	v3 =	vld [tilespmem:$0x31F]  }
0x16: {  	v4 =	vld [tilespmem:$0x32F]  }
0x17: {  	v5 =	vld [tilespmem:$0x33F]  }
0x18: {  	v6 =	vld [tilespmem:$0x34E]  }
0x19: {  	v7 =	vld [tilespmem:$0x35E]  }
0x1a: {  	v8 =	vld [tilespmem:$0x36E]  }
0x1b: {  	v9 =	vld [tilespmem:$0x37D]  }
0x1c: {  	v10 =	vld [tilespmem:$0x38D]  }
0x1d: {  	v11 =	vld [tilespmem:$0x39D]  }
0x1e: {  	v12 =	vld [tilespmem:$0x3AC]  }
0x1f: {  	v13 =	vld [tilespmem:$0x3BC]  }
0x20: {  	v14 =	vld [tilespmem:$0x3CC]  }
0x21: {  	v15 =	vld [tilespmem:$0x3E0]  }
0x22: {  	v16 =	vld [tilespmem:$0x3F0]  }
0x23: {  	s14 =	simm.s32 $0x0;
	v17 =	vld [tilespmem:$0x400];
	_ =	strace $0x80000048  }
0x24: {  	v18 =	vld [tilespmem:s14+$0x200];
	_ =	sdelay $0x4  }
0x25: {  	v19 =	vbroadcast v18, $0x0;
	v20 =	vbroadcast v18, $0x1  }
0x26: {  	v21 =	vbroadcast v18, $0x2;
	v22 =	vbroadcast v18, $0x3  }
0x27: {  	v18 =	vbroadcast v18, $0x4;
	v23 =	vmul.f32 v19, v0  }
0x28: {  	v25 =	vmul.f32 v19, v1;
	v19 =	vmul.f32 v19, v2  }
0x29: {  	v24 =	vmul.f32 v20, v5;
	v26 =	vmul.f32 v20, v3;
	v23 =	vadd.f32 v23, v15  }
0x2a: {  	v20 =	vmul.f32 v20, v4;
	v25 =	vadd.f32 v25, v16;
	v19 =	vadd.f32 v19, v17  }
0x2b: {  	v60 =	vmul.f32 v21, v6;
	v27 =	vmul.f32 v21, v8;
	v23 =	vadd.f32 v23, v26  }
0x2c: {  	v21 =	vmul.f32 v21, v7;
	v20 =	vadd.f32 v25, v20;
	v19 =	vadd.f32 v19, v24  }
0x2d: {  	v61 =	vmul.f32 v22, v9;
	v62 =	vmul.f32 v22, v11;
	v23 =	vadd.f32 v23, v60  }
0x2e: {  	v20 =	vadd.f32 v20, v21;
	v19 =	vadd.f32 v19, v27;
	v21 =	vmul.f32 v22, v10  }
0x2f: {  	v63 =	vmul.f32 v18, v14;
	v22 =	vadd.f32 v23, v61;
	v23 =	vmul.f32 v18, v12  }
0x30: {  	v21 =	vadd.f32 v20, v21;
	v25 =	vadd.f32 v19, v62;
	v18 =	vmul.f32 v18, v13  }
0x31: {  	v20 =	vadd.f32 v22, v23  }
0x32: {  	s15 =	simm.s32 $0x14;
	s16 =	simm.s32 $0x440;
	s14 =	simm.s32 $0x440;
	v19 =	vadd.f32 v21, v18;
	v18 =	vadd.f32 v25, v63  }
.LBB2_2:
0x33: {  	p0 =	sne.s32 s15, $0x398  }
0x34: {  	[tilespmem:s14+$0xFFFFFFE0] =	vst v20;
	s16 =	sadd.s32 $0x30, s16;
	s17 =	smov.u32 s15;
	s15 =	sadd.s32 $0x14, s15  }
0x35: {  	[tilespmem:s14+$0xFFFFFFF0] =	vst v19  }
0x36: {  	s17 =	sshra.s32 s17, $0x2;
	[tilespmem:s14+$0x0] =	vst v18;
	s14 =	smov.u32 s16  }
0x37: {  	v18 =	vld [tilespmem:s17+$0x200];
	_ =	sdelay $0x4  }
0x38: {  	v19 =	vbroadcast v18, $0x0;
	v20 =	vbroadcast v18, $0x1  }
0x39: {  	v21 =	vbroadcast v18, $0x2;
	v22 =	vbroadcast v18, $0x3  }
0x3a: {  	v23 =	vmul.f32 v19, v0;
	v24 =	vmul.f32 v20, v5  }
0x3b: {  	v25 =	vmul.f32 v19, v1;
	v19 =	vmul.f32 v19, v2  }
0x3c: {  	v18 =	vbroadcast v18, $0x4;
	v26 =	vmul.f32 v20, v3;
	v23 =	vadd.f32 v23, v15  }
0x3d: {  	v20 =	vmul.f32 v20, v4;
	v25 =	vadd.f32 v25, v16;
	v19 =	vadd.f32 v19, v17  }
0x3e: {  	v27 =	vmul.f32 v21, v8;
	v23 =	vadd.f32 v23, v26;
	v26 =	vmul.f32 v21, v6  }
0x3f: {  	v20 =	vadd.f32 v25, v20;
	v19 =	vadd.f32 v19, v24;
	v21 =	vmul.f32 v21, v7  }
0x40: {  	v24 =	vmul.f32 v22, v9;
	v25 =	vmul.f32 v22, v11;
	v23 =	vadd.f32 v23, v26  }
.Ltmp0:
0x41: {  	v20 =	vadd.f32 v20, v21;
	v19 =	vadd.f32 v19, v27;
	v21 =	vmul.f32 v22, v10;
	(pc) =	sbr.rel @p0 .LBB2_2-.Ltmp0, $4  }
0x42: {  	v22 =	vadd.f32 v23, v24;
	v23 =	vmul.f32 v18, v12;
	v24 =	vmul.f32 v18, v14  }
0x43: {  	v21 =	vadd.f32 v20, v21;
	v25 =	vadd.f32 v19, v25;
	v18 =	vmul.f32 v18, v13  }
0x44: {  	v20 =	vadd.f32 v22, v23  }
0x45: {  	v19 =	vadd.f32 v21, v18;
	v18 =	vadd.f32 v25, v24  }
0x46: {  	[tilespmem:s14+$0xFFFFFFE0] =	vst v20  }
0x47: {  	[tilespmem:s14+$0xFFFFFFF0] =	vst v19  }
0x48: {  	[tilespmem:s14+$0x0] =	vst v18  }
0x49: {  	_ =	strace $0x90000048  }
0x4a: {  	_ =	strace $0x80000049  }
0x4b: {  	_ =	swait.ge [sflag:s9], $0x200  }
0x4c: {  	[sflag:s9] =	ssyncset.done $0x0  }
0x4d: {  	[sflag:s9] =	ssyncadd.s32 $0xFFFFFE00  }
0x4e: {  	_ =	strace $0x90000049  }
0x4f: {  	v1 =	vld [tilespmem:$0x0]  }
0x50: {  	v2 =	vld [tilespmem:$0x10]  }
0x51: {  	v3 =	vld [tilespmem:$0x20]  }
0x52: {  	v0 =	vld [tilespmem:$0x30]  }
0x53: {  	v4 =	vld [tilespmem:$0x40]  }
0x54: {  	v5 =	vld [tilespmem:$0x50]  }
0x55: {  	v6 =	vld [tilespmem:$0x60]  }
0x56: {  	v7 =	vld [tilespmem:$0x70]  }
0x57: {  	v8 =	vld [tilespmem:$0x80]  }
0x58: {  	v9 =	vld [tilespmem:$0x90]  }
0x59: {  	v10 =	vld [tilespmem:$0xA0]  }
0x5a: {  	v11 =	vld [tilespmem:$0xB0]  }
0x5b: {  	v12 =	vld [tilespmem:$0xC0]  }
0x5c: {  	v13 =	vld [tilespmem:$0xD0]  }
0x5d: {  	v14 =	vld [tilespmem:$0xE0]  }
0x5e: {  	v15 =	vld [tilespmem:$0xF0]  }
0x5f: {  	v16 =	vld [tilespmem:$0x100]  }
0x60: {  	v17 =	vld [tilespmem:$0x110]  }
0x61: {  	v18 =	vld [tilespmem:$0x120]  }
0x62: {  	v19 =	vld [tilespmem:$0x130]  }
0x63: {  	v20 =	vld [tilespmem:$0x140]  }
0x64: {  	v21 =	vld [tilespmem:$0x150]  }
0x65: {  	v22 =	vld [tilespmem:$0x160]  }
0x66: {  	v23 =	vld [tilespmem:$0x170]  }
0x67: {  	v24 =	vld [tilespmem:$0x180]  }
0x68: {  	v25 =	vld [tilespmem:$0x190]  }
0x69: {  	v26 =	vld [tilespmem:$0x1A0];
	v0 =	vmul.u32 $0x30, v0  }
0x6a: {  	v27 =	vld [tilespmem:$0x1B0];
	v28 =	vmul.u32 $0x30, v3  }
0x6b: {  	v29 =	vld [tilespmem:$0x1C0];
	v1 =	vmul.u32 $0x30, v1  }
0x6c: {  	v30 =	vld [tilespmem:$0x1D0];
	v2 =	vmul.u32 $0x30, v2  }
0x6d: {  	v31 =	vld [tilespmem:$0x1F0]  }
0x6e: {  	v3 =	vld [tilespmem:$0x1E0];
	_ =	strace $0x8000004A  }
0x6f: {  	v32 =	vld.idx.msk [tilespmem:v0+s10+$0x0], $0xffff  }
0x70: {  	v33 =	vld.idx.msk [tilespmem:v28+s10+$0x0], $0xffff  }
0x71: {  	v34 =	vld.idx.msk [tilespmem:v1+s10+$0x0], $0xffff  }
0x72: {  	v35 =	vmul.u32 $0x30, v7;
	v7 =	vld.idx.msk [tilespmem:v2+s10+$0x0], $0xffff  }
0x73: {  	s14 =	simm.s32 $0x0;
	v37 =	vmul.u32 $0x30, v4  }
0x74: {  	v39 =	vmul.u32 $0x30, v6;
	[tilespmem:s14+$0xD20] =	vst v32  }
0x75: {  	v38 =	vmul.u32 $0x30, v5;
	[tilespmem:s14+$0xD10] =	vst v33  }
0x76: {  	[tilespmem:s14+$0xCF0] =	vst v34  }
0x77: {  	[tilespmem:s14+$0xD00] =	vst v7  }
0x78: {  	v4 =	vld.idx.msk [tilespmem:v35+s10+$0x0], $0xffff  }
0x79: {  	v5 =	vld.idx.msk [tilespmem:v37+s10+$0x0], $0xffff  }
0x7a: {  	v6 =	vld.idx.msk [tilespmem:v39+s10+$0x0], $0xffff  }
0x7b: {  	v61 =	vmul.u32 $0x30, v10;
	v7 =	vld.idx.msk [tilespmem:v38+s10+$0x0], $0xffff  }
0x7c: {  	v36 =	vmul.u32 $0x30, v9  }
0x7d: {  	v40 =	vmul.u32 $0x30, v8;
	[tilespmem:s14+$0xD60] =	vst v4  }
0x7e: {  	v62 =	vmul.u32 $0x30, v11;
	[tilespmem:s14+$0xD30] =	vst v5  }
0x7f: {  	[tilespmem:s14+$0xD50] =	vst v6  }
0x80: {  	[tilespmem:s14+$0xD40] =	vst v7  }
0x81: {  	v4 =	vld.idx.msk [tilespmem:v61+s10+$0x0], $0xffff  }
0x82: {  	v5 =	vld.idx.msk [tilespmem:v36+s10+$0x0], $0xffff  }
0x83: {  	v6 =	vld.idx.msk [tilespmem:v40+s10+$0x0], $0xffff  }
0x84: {  	v63 =	vmul.u32 $0x30, v13;
	v7 =	vld.idx.msk [tilespmem:v62+s10+$0x0], $0xffff  }
0x85: {  	v41 =	vmul.u32 $0x30, v15  }
0x86: {  	v44 =	vmul.u32 $0x30, v12;
	[tilespmem:s14+$0xD90] =	vst v4  }
0x87: {  	v43 =	vmul.u32 $0x30, v14;
	[tilespmem:s14+$0xD80] =	vst v5  }
0x88: {  	[tilespmem:s14+$0xD70] =	vst v6  }
0x89: {  	[tilespmem:s14+$0xDA0] =	vst v7  }
0x8a: {  	v4 =	vld.idx.msk [tilespmem:v63+s10+$0x0], $0xffff  }
0x8b: {  	v5 =	vld.idx.msk [tilespmem:v41+s10+$0x0], $0xffff  }
0x8c: {  	v6 =	vld.idx.msk [tilespmem:v44+s10+$0x0], $0xffff  }
0x8d: {  	v42 =	vmul.u32 $0x30, v16;
	v7 =	vld.idx.msk [tilespmem:v43+s10+$0x0], $0xffff  }
0x8e: {  	v45 =	vmul.u32 $0x30, v18  }
0x8f: {  	v46 =	vmul.u32 $0x30, v19;
	[tilespmem:s14+$0xDC0] =	vst v4  }
0x90: {  	v47 =	vmul.u32 $0x30, v17;
	[tilespmem:s14+$0xDE0] =	vst v5  }
0x91: {  	[tilespmem:s14+$0xDB0] =	vst v6  }
0x92: {  	[tilespmem:s14+$0xDD0] =	vst v7  }
0x93: {  	v10 =	vld.idx.msk [tilespmem:v42+s10+$0x0], $0xffff  }
0x94: {  	v11 =	vld.idx.msk [tilespmem:v45+s10+$0x0], $0xffff  }
0x95: {  	v49 =	vmul.u32 $0x30, v22;
	v8 =	vmul.u32 $0x30, v25;
	v13 =	vld.idx.msk [tilespmem:v46+s10+$0x0], $0xffff  }
0x96: {  	v48 =	vmul.u32 $0x30, v20;
	v19 =	vmul.u32 $0x30, v21;
	v50 =	vmul.u32 $0x30, v23;
	v16 =	vld.idx.msk [tilespmem:v47+s10+$0x0], $0xffff  }
0x97: {  	v9 =	vmul.u32 $0x30, v27;
	v17 =	vadd.s32 $0x1, v8;
	v20 =	vadd.s32 $0x1, v49  }
0x98: {  	v21 =	vadd.s32 $0x1, v50;
	v22 =	vadd.s32 $0x1, v45;
	v23 =	vadd.s32 $0x1, v46;
	[tilespmem:s14+$0xDF0] =	vst v10  }
0x99: {  	v25 =	vadd.s32 $0x1, v41;
	v27 =	vadd.s32 $0x1, v47;
	v3 =	vmul.u32 $0x30, v3;
	[tilespmem:s14+$0xE10] =	vst v11  }
0x9a: {  	v28 =	vadd.s32 $0x1, v28;
	v32 =	vadd.s32 $0x1, v62;
	v33 =	vadd.s32 $0x1, v44;
	[tilespmem:s14+$0xE20] =	vst v13  }
0x9b: {  	v34 =	vadd.s32 $0x1, v35;
	v35 =	vadd.s32 $0x1, v40;
	v37 =	vadd.s32 $0x1, v37;
	[tilespmem:s14+$0xE00] =	vst v16  }
0x9c: {  	v38 =	vadd.s32 $0x1, v38;
	v39 =	vadd.s32 $0x1, v39;
	v36 =	vadd.s32 $0x1, v36;
	v51 =	vld.idx.msk [tilespmem:v19+s10+$0x0], $0xffff  }
0x9d: {  	v7 =	vmul.u32 $0x30, v24;
	v4 =	vmul.u32 $0x30, v31;
	v6 =	vmul.u32 $0x30, v29;
	v52 =	vld.idx.msk [tilespmem:v48+s10+$0x0], $0xffff  }
0x9e: {  	v5 =	vmul.u32 $0x30, v30;
	v24 =	vadd.s32 $0x1, v48;
	v29 =	vadd.s32 $0x1, v63  }
0x9f: {  	v30 =	vadd.s32 $0x1, v43;
	v31 =	vadd.s32 $0x1, v61;
	v12 =	vadd.s32 $0x1, v4;
	v43 =	vld.idx.msk [tilespmem:v49+s10+$0x0], $0xffff  }
0xa0: {  	v14 =	vadd.s32 $0x1, v6;
	v15 =	vadd.s32 $0x1, v5;
	v10 =	vmul.u32 $0x30, v26  }
0xa1: {  	v11 =	vadd.s32 $0x1, v3;
	v13 =	vadd.s32 $0x1, v9;
	v26 =	vadd.s32 $0x1, v42;
	v42 =	vld.idx.msk [tilespmem:v50+s10+$0x0], $0xffff;
	[tilespmem:s14+$0xE40] =	vst v51  }
0xa2: {  	s15 =	simm.s32 $0x800;
	v16 =	vadd.s32 $0x1, v7;
	v19 =	vadd.s32 $0x1, v19;
	v18 =	vadd.s32 $0x1, v10;
	[tilespmem:s14+$0xE30] =	vst v52  }
.LBB2_4:
0xa3: {  	p0 =	sne.s32 s15, $0x17000;
	v1 =	vadd.s32 $0x1, v1;
	v2 =	vadd.s32 $0x1, v2;
	v0 =	vadd.s32 $0x1, v0;
	v40 =	vmovc v20;
	v41 =	vmovc v21;
	s16 =	smov.u32 s15;
	s15 =	sadd.s32 $0x800, s15  }
0xa4: {  	[tilespmem:s14+$0xE50] =	vst v43;
	_ =	sdelay $0x2  }
0xa5: {  	[tilespmem:s14+$0xE60] =	vst v42  }
0xa6: {  	v42 =	vld.idx.msk [tilespmem:v9+s10+$0x0], $0xffff;
	v9 =	vmov v13  }
0xa7: {  	v43 =	vld.idx.msk [tilespmem:v7+s10+$0x0], $0xffff;
	v7 =	vmov v16  }
0xa8: {  	v44 =	vld.idx.msk [tilespmem:v10+s10+$0x0], $0xffff;
	v10 =	vmov v18  }
0xa9: {  	v45 =	vld.idx.msk [tilespmem:v8+s10+$0x0], $0xffff;
	v8 =	vmov v17;
	_ =	sdelay $0x2  }
0xaa: {  	[tilespmem:s14+$0xEA0] =	vst v42  }
0xab: {  	[tilespmem:s14+$0xE70] =	vst v43  }
0xac: {  	[tilespmem:s14+$0xE90] =	vst v44  }
0xad: {  	[tilespmem:s14+$0xE80] =	vst v45  }
0xae: {  	v42 =	vld.idx.msk [tilespmem:v6+s10+$0x0], $0xffff;
	v6 =	vmov v14  }
0xaf: {  	v43 =	vld.idx.msk [tilespmem:v4+s10+$0x0], $0xffff;
	v4 =	vmov v12  }
0xb0: {  	v44 =	vld.idx.msk [tilespmem:v5+s10+$0x0], $0xffff;
	v5 =	vmov v15  }
0xb1: {  	v45 =	vld.idx.msk [tilespmem:v3+s10+$0x0], $0xffff;
	v3 =	vmov v11;
	_ =	sdelay $0x2  }
0xb2: {  	[tilespmem:s14+$0xEB0] =	vst v42  }
0xb3: {  	[tilespmem:s14+$0xEE0] =	vst v43  }
0xb4: {  	[tilespmem:s14+$0xEC0] =	vst v44  }
0xb5: {  	[tilespmem:s14+$0xED0] =	vst v45  }
0xb6: {  	v42 =	vld.idx.msk [tilespmem:v0+s10+$0x0], $0xffff  }
0xb7: {  	v43 =	vld.idx.msk [tilespmem:v28+s10+$0x0], $0xffff  }
0xb8: {  	v44 =	vld.idx.msk [tilespmem:v1+s10+$0x0], $0xffff  }
0xb9: {  	v45 =	vld.idx.msk [tilespmem:v2+s10+$0x0], $0xffff;
	_ =	sdelay $0x1  }
0xba: {  	s14 =	sshra.s32 s16, $0x2  }
0xbb: {  	[tilespmem:s14+$0xD20] =	vst v42  }
0xbc: {  	[tilespmem:s14+$0xD10] =	vst v43  }
0xbd: {  	[tilespmem:s14+$0xCF0] =	vst v44  }
0xbe: {  	[tilespmem:s14+$0xD00] =	vst v45  }
0xbf: {  	v42 =	vld.idx.msk [tilespmem:v34+s10+$0x0], $0xffff  }
0xc0: {  	v43 =	vld.idx.msk [tilespmem:v37+s10+$0x0], $0xffff  }
0xc1: {  	v44 =	vld.idx.msk [tilespmem:v39+s10+$0x0], $0xffff  }
0xc2: {  	v45 =	vld.idx.msk [tilespmem:v38+s10+$0x0], $0xffff;
	_ =	sdelay $0x2  }
0xc3: {  	[tilespmem:s14+$0xD60] =	vst v42  }
0xc4: {  	[tilespmem:s14+$0xD30] =	vst v43  }
0xc5: {  	[tilespmem:s14+$0xD50] =	vst v44  }
0xc6: {  	[tilespmem:s14+$0xD40] =	vst v45  }
0xc7: {  	v42 =	vld.idx.msk [tilespmem:v31+s10+$0x0], $0xffff  }
0xc8: {  	v43 =	vld.idx.msk [tilespmem:v36+s10+$0x0], $0xffff  }
0xc9: {  	v44 =	vld.idx.msk [tilespmem:v35+s10+$0x0], $0xffff  }
0xca: {  	v45 =	vld.idx.msk [tilespmem:v32+s10+$0x0], $0xffff;
	_ =	sdelay $0x2  }
0xcb: {  	[tilespmem:s14+$0xD90] =	vst v42  }
0xcc: {  	[tilespmem:s14+$0xD80] =	vst v43  }
0xcd: {  	[tilespmem:s14+$0xD70] =	vst v44  }
0xce: {  	[tilespmem:s14+$0xDA0] =	vst v45  }
0xcf: {  	v42 =	vld.idx.msk [tilespmem:v29+s10+$0x0], $0xffff  }
0xd0: {  	v43 =	vld.idx.msk [tilespmem:v25+s10+$0x0], $0xffff  }
0xd1: {  	v44 =	vld.idx.msk [tilespmem:v33+s10+$0x0], $0xffff  }
0xd2: {  	v45 =	vld.idx.msk [tilespmem:v30+s10+$0x0], $0xffff;
	_ =	sdelay $0x2  }
0xd3: {  	[tilespmem:s14+$0xDC0] =	vst v42  }
0xd4: {  	[tilespmem:s14+$0xDE0] =	vst v43  }
0xd5: {  	[tilespmem:s14+$0xDB0] =	vst v44  }
0xd6: {  	[tilespmem:s14+$0xDD0] =	vst v45  }
0xd7: {  	v42 =	vld.idx.msk [tilespmem:v26+s10+$0x0], $0xffff  }
0xd8: {  	v43 =	vld.idx.msk [tilespmem:v22+s10+$0x0], $0xffff  }
0xd9: {  	v44 =	vld.idx.msk [tilespmem:v23+s10+$0x0], $0xffff  }
0xda: {  	v45 =	vld.idx.msk [tilespmem:v27+s10+$0x0], $0xffff;
	_ =	sdelay $0x2  }
0xdb: {  	[tilespmem:s14+$0xDF0] =	vst v42  }
0xdc: {  	[tilespmem:s14+$0xE10] =	vst v43  }
0xdd: {  	v12 =	vadd.s32 $0x1, v12;
	v11 =	vadd.s32 $0x1, v11;
	[tilespmem:s14+$0xE20] =	vst v44  }
0xde: {  	v13 =	vadd.s32 $0x1, v13;
	v14 =	vadd.s32 $0x1, v14;
	v15 =	vadd.s32 $0x1, v15;
	[tilespmem:s14+$0xE00] =	vst v45  }
0xdf: {  	v16 =	vadd.s32 $0x1, v16;
	v18 =	vadd.s32 $0x1, v18;
	v17 =	vadd.s32 $0x1, v17;
	v44 =	vld.idx.msk [tilespmem:v19+s10+$0x0], $0xffff  }
0xe0: {  	v20 =	vadd.s32 $0x1, v20;
	v21 =	vadd.s32 $0x1, v21;
	v19 =	vadd.s32 $0x1, v19;
	v45 =	vld.idx.msk [tilespmem:v24+s10+$0x0], $0xffff  }
0xe1: {  	v22 =	vadd.s32 $0x1, v22;
	v23 =	vadd.s32 $0x1, v23;
	v24 =	vadd.s32 $0x1, v24;
	v42 =	vld.idx.msk [tilespmem:v41+s10+$0x0], $0xffff  }
.Ltmp1:
0xe2: {  	v25 =	vadd.s32 $0x1, v25;
	v26 =	vadd.s32 $0x1, v26;
	v27 =	vadd.s32 $0x1, v27;
	v43 =	vld.idx.msk [tilespmem:v40+s10+$0x0], $0xffff;
	(pc) =	sbr.rel @p0 .LBB2_4-.Ltmp1, $4  }
0xe3: {  	v28 =	vadd.s32 $0x1, v28;
	v29 =	vadd.s32 $0x1, v29;
	v30 =	vadd.s32 $0x1, v30  }
0xe4: {  	v31 =	vadd.s32 $0x1, v31;
	v32 =	vadd.s32 $0x1, v32;
	v33 =	vadd.s32 $0x1, v33  }
0xe5: {  	v34 =	vadd.s32 $0x1, v34;
	v36 =	vadd.s32 $0x1, v36;
	v35 =	vadd.s32 $0x1, v35;
	[tilespmem:s14+$0xE40] =	vst v44  }
0xe6: {  	v37 =	vadd.s32 $0x1, v37;
	v39 =	vadd.s32 $0x1, v39;
	v38 =	vadd.s32 $0x1, v38;
	[tilespmem:s14+$0xE30] =	vst v45  }
0xe7: {  	_ =	sdelay $0x1  }
0xe8: {  	[tilespmem:s14+$0xE50] =	vst v43  }
0xe9: {  	[tilespmem:s14+$0xE60] =	vst v42  }
0xea: {  	v0 =	vld.idx.msk [tilespmem:v9+s10+$0x0], $0xffff  }
0xeb: {  	v1 =	vld.idx.msk [tilespmem:v7+s10+$0x0], $0xffff  }
0xec: {  	v2 =	vld.idx.msk [tilespmem:v10+s10+$0x0], $0xffff  }
0xed: {  	v63 =	vld.idx.msk [tilespmem:v8+s10+$0x0], $0xffff;
	_ =	sdelay $0x1  }
0xee: {  	[tilespmem:s14+$0xEA0] =	vst v0  }
0xef: {  	[tilespmem:s14+$0xE70] =	vst v1  }
0xf0: {  	[tilespmem:s14+$0xE90] =	vst v2  }
0xf1: {  	[tilespmem:s14+$0xE80] =	vst v63  }
0xf2: {  	v0 =	vld.idx.msk [tilespmem:v6+s10+$0x0], $0xffff  }
0xf3: {  	v1 =	vld.idx.msk [tilespmem:v4+s10+$0x0], $0xffff  }
0xf4: {  	v2 =	vld.idx.msk [tilespmem:v5+s10+$0x0], $0xffff  }
0xf5: {  	v3 =	vld.idx.msk [tilespmem:v3+s10+$0x0], $0xffff;
	_ =	sdelay $0x1  }
0xf6: {  	[tilespmem:s14+$0xEB0] =	vst v0  }
0xf7: {  	[tilespmem:s14+$0xEE0] =	vst v1  }
0xf8: {  	[tilespmem:s14+$0xEC0] =	vst v2  }
0xf9: {  	[tilespmem:s14+$0xED0] =	vst v3  }
0xfa: {  	s13 =	sadd.s32 $0x1, s13;
	_ =	strace $0x9000004A  }
0xfb: {  	p0 =	sne.s32 s13, s6;
	_ =	strace $0x8000004B  }
0xfc: {  	[hbm4b:s5+s7] =	stream.strided.scatter [tilespmem:s12], [sflag:$0x2], $0x5E00, s11, s7, $0x200038;
	[tilespmem:$0x6AF0] =	vst v63  }
.Ltmp2:
0xfd: {  	_ = 	snop;
	(pc) =	sbr.rel @p0 .LBB2_1-.Ltmp2, $4  }
0xfe: {  	_ =	swait.ge [sflag:s8], $0x5E00  }
0xff: {  	[sflag:s8] =	ssyncset.done $0x0  }
0x100: {  	[sflag:s8] =	ssyncadd.s32 $0xFFFFA200  }
0x101: {  	_ =	strace $0x9000004B  }
0x102: {  	_ =	sfence.sel $0x180000  }
0x103: {  	[bflag:$0x0] =	sbarrier.arrive $0xFFFF  }
0x104: {  	p0 =	sne.s32 s1, $0x0;
	_ =	strace $0x90000047  }
0x105: {  	s0 =	sadd.s32 @!p0 $0x100000, s0;
	[bflag:$0x2] =	sbarrier.arrive $0xFFFF  }
0x106: {  	[sflag:s0] =	ssyncadd.tile.s32 @!p0 $0x1;
	_ =	shalt  }
.Lfunc_end2:
_tile_overlayer_lowered:
.L_overlay_start_2:
0x107: {  	(tag) =	ssettag $0x2  }
0x108: {  	s0 =	rddreg [dreg:$0x0];
	s2 =	stileid.u32  }
0x109: {  	s1 =	rddreg [dreg:$0x1];
	p0 =	sne.s32 s2, $0x0  }
0x10a: {  	s3 =	rddreg [dreg:$0x2];
	[bflag:$0x3] =	sbarrier.arrive $0xFFFF;
	s2 =	simm.s32 @!p0 $0x1C02  }
0x10b: {  	[timem:s3], [sflag:s2] =	dma.local @!p0 [hbm:s0], s1  }
0x10c: {  	s0 =	simm.s32 @!p0 $0x2  }
0x10d: {  	_ =	swait.ge @!p0 [sflag:s0], s1  }
0x10e: {  	s1 =	ssub.s32 @!p0 $0x0, s1;
	[sflag:s0] =	ssyncset.done @!p0 $0x0  }
0x10f: {  	[sflag:s0] =	ssyncadd.s32 @!p0 s1  }
0x110: {  	[bflag:$0x3] =	sbarrier.arrive $0xFFFF  }
0x111: {  	_ =	shalt  }

</sc_bundles>
